<compile_context>
chip_gen: v7x
topology: tpu7x:2x2x1
jax: 0.10.2.dev20260603
libtpu: 0.0.44.dev20260713+nightly
codegen_flags: <defaults>
</compile_context>

<pallas_src>
import functools
import math

import jax
import jax.numpy as jnp
from jax import lax
from jax.experimental import pallas as pl
from jax.experimental.pallas import tpu as pltpu
from jax.experimental.pallas import tpu_sc as plsc


def _qnorm_body(x_ref, wq_ref, n_ref):
    q = jnp.dot(x_ref[...], wq_ref[...], preferred_element_type=jnp.float32)
    sumsq = jnp.sum(q * q, axis=1)
    n_ref[...] = jnp.broadcast_to(jnp.sqrt(sumsq)[:, None], n_ref.shape)


def _q_norms(x_flat, Wq, block_rows=1024):
    rows, embed = x_flat.shape
    head = Wq.shape[1]
    grid = (rows // block_rows,)
    norms = pl.pallas_call(
        _qnorm_body,
        grid=grid,
        in_specs=[
            pl.BlockSpec((block_rows, embed), lambda i: (i, 0)),
            pl.BlockSpec((embed, head), lambda i: (0, 0)),
        ],
        out_specs=pl.BlockSpec((block_rows, 128), lambda i: (i, 0)),
        out_shape=jax.ShapeDtypeStruct((rows, 128), jnp.float32),
    )(x_flat, Wq)
    return norms[:, 0]


def _sc_gather(x_flat, gidx):
    info = plsc.get_sparse_core_info()
    num_workers = info.num_cores * info.num_subcores
    n_idx = gidx.shape[0]
    rpw = n_idx // num_workers
    embed = x_flat.shape[1]
    mesh = plsc.VectorSubcoreMesh(core_axis_name="c", subcore_axis_name="s")

    @functools.partial(
        pl.kernel,
        mesh=mesh,
        out_type=jax.ShapeDtypeStruct((n_idx, embed), jnp.float32),
    scratch_types=[
            pltpu.VMEM((rpw,), jnp.int32),
            pltpu.VMEM((rpw, embed), jnp.float32),
            pltpu.SemaphoreType.DMA,
            pltpu.SemaphoreType.DMA,
        ],
    )
    def gather_kernel(x_hbm, idx_hbm, xt_hbm, idx_v, xrow_v, sem_a, sem_b):
        wid = lax.axis_index("s") * info.num_cores + lax.axis_index("c")
        base = wid * rpw
        pltpu.sync_copy(idx_hbm.at[pl.ds(base, rpw)], idx_v)
        half = rpw // 2
        iv0 = idx_v[pl.ds(0, half)]
        iv1 = idx_v[pl.ds(half, half)]
        g0 = pltpu.async_copy(x_hbm.at[iv0], xrow_v.at[pl.ds(0, half)], sem_a)
        g1 = pltpu.async_copy(x_hbm.at[iv1], xrow_v.at[pl.ds(half, half)],
                              sem_b)
        g0.wait()
        w0 = pltpu.async_copy(xrow_v.at[pl.ds(0, half)],
                              xt_hbm.at[pl.ds(base, half)], sem_a)
        g1.wait()
        w1 = pltpu.async_copy(xrow_v.at[pl.ds(half, half)],
                              xt_hbm.at[pl.ds(base + half, half)], sem_b)
        w0.wait()
        w1.wait()

    return gather_kernel(x_flat, gidx)


def _attn_body(topk, xt_ref, wq_ref, wk_ref, wv_ref, o_ref):
    x = xt_ref[...]
    q = jnp.dot(x, wq_ref[...], preferred_element_type=jnp.float32)
    k = jnp.dot(x, wk_ref[...], preferred_element_type=jnp.float32)
    v = jnp.dot(x, wv_ref[...], preferred_element_type=jnp.float32)
    head = q.shape[1]
    w = lax.dot_general(q, k, (((1,), (1,)), ((), ())),
                        preferred_element_type=jnp.float32)
    w = w * (1.0 / math.sqrt(head))
    n = w.shape[0]
    col = lax.broadcasted_iota(jnp.int32, (n, n), 1)
    w = jnp.where(col < topk, w, -jnp.inf)
    w = w - jnp.max(w, axis=-1, keepdims=True)
    e = jnp.exp(w)
    p = e / jnp.sum(e, axis=-1, keepdims=True)
    o_ref[...] = jnp.dot(p, v, preferred_element_type=jnp.float32)


def _attention(x_top, Wq, Wk, Wv, batches, rows_per_batch, topk):
    embed = x_top.shape[1]
    head = Wq.shape[1]
    wspec = pl.BlockSpec((embed, head), lambda b: (0, 0))
    return pl.pallas_call(
        functools.partial(_attn_body, topk),
        grid=(batches,),
        in_specs=[
            pl.BlockSpec((rows_per_batch, embed), lambda b: (b, 0)),
            wspec, wspec, wspec,
        ],
        out_specs=pl.BlockSpec((rows_per_batch, head), lambda b: (b, 0)),
        out_shape=jax.ShapeDtypeStruct((batches * rows_per_batch, head),
                                       jnp.float32),
    )(x_top, Wq, Wk, Wv)


def _sc_scatter(rows, sidx, region_rows):
    info = plsc.get_sparse_core_info()
    n_cores, n_sub = info.num_cores, info.num_subcores
    n_idx = sidx.shape[0]
    rpw = n_idx // (n_cores * n_sub)
    zpw = region_rows // n_sub
    head = rows.shape[1]
    mesh = plsc.VectorSubcoreMesh(core_axis_name="c", subcore_axis_name="s")
    zeros_blk = jnp.zeros((zpw, head), jnp.float32)

    @functools.partial(
        pl.kernel,
        mesh=mesh,
        out_type=jax.ShapeDtypeStruct((n_cores * region_rows, head),
                                      jnp.float32),
        scratch_types=[
            pltpu.VMEM((rpw,), jnp.int32),
            pltpu.VMEM((rpw, head), jnp.float32),
            pltpu.VMEM((zpw, head), jnp.float32),
            pltpu.SemaphoreType.DMA,
            pltpu.SemaphoreType.DMA,
            pltpu.SemaphoreType.DMA,
        ],
    )
    def scatter_kernel(rows_hbm, idx_hbm, zeros_hbm, out_hbm,
                       idx_v, row_v, zero_v, sem_z, sem_i, sem_r):
        cid = lax.axis_index("c")
        sid = lax.axis_index("s")
        cz = pltpu.async_copy(zeros_hbm, zero_v, sem_z)
        base = (cid * n_sub + sid) * rpw
        ci = pltpu.async_copy(idx_hbm.at[pl.ds(base, rpw)], idx_v, sem_i)
        cr = pltpu.async_copy(rows_hbm.at[pl.ds(base, rpw)], row_v, sem_r)
        cz.wait()
        zbase = cid * region_rows + sid * zpw
        pltpu.sync_copy(zero_v, out_hbm.at[pl.ds(zbase, zpw)])
        plsc.subcore_barrier()
        ci.wait()
        cr.wait()
        pltpu.async_copy(row_v, out_hbm.at[idx_v], sem_z).wait()

    return scatter_kernel(rows, sidx, zeros_blk)


def kernel(index, Wq, Wk, Wv):
    B, T, E = index.shape
    head = Wq.shape[1]
    topk = int(0.1 * T)
    topk_pad = 512

    x_flat = index.reshape(B * T, E)
    norms = _q_norms(x_flat, Wq)
    _, top_idx = lax.top_k(norms.reshape(B, T), topk)
    top_idx = top_idx.astype(jnp.int32)

    flat_idx = top_idx + (jnp.arange(B, dtype=jnp.int32) * T)[:, None]
    pad = jnp.broadcast_to(flat_idx[:, :1], (B, topk_pad - topk))
    full_idx = jnp.concatenate([flat_idx, pad], axis=1).reshape(-1)

    x_top = _sc_gather(x_flat, full_idx)
    out_top = _attention(x_top, Wq, Wk, Wv, B, topk_pad, topk)
    out_flat = _sc_scatter(out_top, full_idx, T)
    return out_flat.reshape(B, T, head)

# --- scband reference (transcript-rebuilt; emitter-appended) ---
"""Pipeline reference for scband-head-24799141167224 (READ-ONLY COPY).

The authoritative reference and input builder live on the scoring server;
editing this copy changes nothing except your own understanding.
"""

import jax, jax.numpy as jnp
import numpy as np
import math

HEAD_SIZE = 128
N_EMBED = 2048
TOP_K_RATIO = 0.1

def setup_inputs(seed: int = 0) -> dict:
    key = jax.random.key(seed)
    k1, k2, k3, k4 = jax.random.split(key, 4)
    index = jax.random.normal(k1, (2, 4096, N_EMBED), dtype=jnp.float32)
    scale = 1.0 / math.sqrt(N_EMBED)
    Wq = jax.random.normal(k2, (N_EMBED, HEAD_SIZE), dtype=jnp.float32) * scale
    Wk = jax.random.normal(k3, (N_EMBED, HEAD_SIZE), dtype=jnp.float32) * scale
    Wv = jax.random.normal(k4, (N_EMBED, HEAD_SIZE), dtype=jnp.float32) * scale
    return {"index": index, "Wq": Wq, "Wk": Wk, "Wv": Wv}

def reference(index, Wq, Wk, Wv):
    # memory defaults to index (self-attention)
    memory = index
    B, T, _ = index.shape
    top_k = int(TOP_K_RATIO * T)
    q = index @ Wq
    k = memory @ Wk
    v = memory @ Wv
    q_norms = jnp.linalg.norm(q, axis=-1)  # [B, T]
    _, top_idx = jax.lax.top_k(q_norms, top_k)  # [B, top_k]
    q_topk = jnp.take_along_axis(q, top_idx[:, :, None], axis=1)
    k_topk = jnp.take_along_axis(k, top_idx[:, :, None], axis=1)
    v_topk = jnp.take_along_axis(v, top_idx[:, :, None], axis=1)
    w = jnp.einsum('bid,bjd->bij', q_topk, k_topk) / math.sqrt(HEAD_SIZE)
    w = w - jnp.max(w, axis=-1, keepdims=True)
    # masked branch skipped: eval mode (self.training=False); dropout is identity in eval
    w = jax.nn.softmax(w, axis=-1)
    out_topk = w @ v_topk  # [B, top_k, D]
    b_idx = jnp.arange(B)[:, None]
    output = jnp.zeros((B, T, HEAD_SIZE), dtype=out_topk.dtype).at[b_idx, top_idx].add(out_topk)
    return output

if __name__ == "__main__":
    import jax
    _d = setup_inputs()
    print(jax.jit(kernel)(*tuple(_d.values())))

</pallas_src>

<mosaic_0001>
#map = affine_map<(d0, d1) -> (0, 0)>
#map1 = affine_map<(d0, d1) -> (0)>
module attributes {stable_mosaic.version = 14 : i64} {
  func.func @scatter_kernel(%arg0: i32, %arg1: i32, %arg2: memref<1024x128xf32, #tpu.memory_space<hbm>>, %arg3: memref<1024xi32, #tpu.memory_space<hbm>>, %arg4: memref<256x128xf32, #tpu.memory_space<hbm>>, %arg5: memref<8192x128xf32, #tpu.memory_space<hbm>>, %arg6: memref<32xi32, #tpu.memory_space<vmem>>, %arg7: memref<32x128xf32, #tpu.memory_space<vmem>>, %arg8: memref<256x128xf32, #tpu.memory_space<vmem>>, %arg9: memref<!tpu.dma_semaphore, #tpu.memory_space<semaphore_mem>>, %arg10: memref<!tpu.dma_semaphore, #tpu.memory_space<semaphore_mem>>, %arg11: memref<!tpu.dma_semaphore, #tpu.memory_space<semaphore_mem>>) attributes {dimension_semantics = [#tpu.dimension_semantics<core_parallel>, #tpu.dimension_semantics<subcore_parallel>], iteration_bounds = array<i64: 2, 16>, scalar_prefetch = 0 : i64, scratch_operands = 6 : i64, tpu.core_type = #tpu.core_type<sc_vector_subcore>, window_params = [{transform_indices = #map}, {transform_indices = #map1}, {transform_indices = #map}, {transform_indices = #map}]} {
    tpu.enqueue_dma source(%arg4 : memref<256x128xf32, #tpu.memory_space<hbm>>) target(%arg8 : memref<256x128xf32, #tpu.memory_space<vmem>>) target_semaphore(%arg9 : memref<!tpu.dma_semaphore, #tpu.memory_space<semaphore_mem>>)
    %mul3A = arith.constant 16 : i32
    %mul3A_0 = arith.muli %arg0, %mul3A : i32
    %add3A = arith.addi %mul3A_0, %arg1 : i32
    %mul3A_1 = arith.constant 32 : i32
    %mul3A_2 = arith.muli %add3A, %mul3A_1 : i32
    %dma_start3A = tpu.memref_slice %arg3[%mul3A_2] : memref<1024xi32, #tpu.memory_space<hbm>> -> memref<32xi32, #tpu.memory_space<hbm>>
    %dma_start3A_3 = tpu.memref_slice %arg3[%mul3A_2] : memref<1024xi32, #tpu.memory_space<hbm>> -> memref<32xi32, #tpu.memory_space<hbm>>
    tpu.enqueue_dma source(%dma_start3A_3 : memref<32xi32, #tpu.memory_space<hbm>>) target(%arg6 : memref<32xi32, #tpu.memory_space<vmem>>) target_semaphore(%arg10 : memref<!tpu.dma_semaphore, #tpu.memory_space<semaphore_mem>>)
    %dma_start3A_4 = arith.constant 0 : i32
    %dma_start3A_5 = tpu.memref_slice %arg2[%mul3A_2, %dma_start3A_4] : memref<1024x128xf32, #tpu.memory_space<hbm>> -> memref<32x128xf32, #tpu.memory_space<hbm>>
    %dma_start3A_6 = arith.constant 0 : i32
    %dma_start3A_7 = tpu.memref_slice %arg2[%mul3A_2, %dma_start3A_6] : memref<1024x128xf32, #tpu.memory_space<hbm>> -> memref<32x128xf32, #tpu.memory_space<hbm>>
    tpu.enqueue_dma source(%dma_start3A_7 : memref<32x128xf32, #tpu.memory_space<hbm>>) target(%arg7 : memref<32x128xf32, #tpu.memory_space<vmem>>) target_semaphore(%arg11 : memref<!tpu.dma_semaphore, #tpu.memory_space<semaphore_mem>>)
    tpu.wait_dma2 semaphore(%arg9 : memref<!tpu.dma_semaphore, #tpu.memory_space<semaphore_mem>>) src(%arg4 : memref<256x128xf32, #tpu.memory_space<hbm>>) dst(%arg8 : memref<256x128xf32, #tpu.memory_space<vmem>>)
    %mul3A_8 = arith.constant 4096 : i32
    %mul3A_9 = arith.muli %arg0, %mul3A_8 : i32
    %mul3A_10 = arith.constant 256 : i32
    %mul3A_11 = arith.muli %arg1, %mul3A_10 : i32
    %add3A_12 = arith.addi %mul3A_9, %mul3A_11 : i32
    "tpu.region"() ({
      %run_scoped3A = tpu.sem_alloc : memref<!tpu.dma_semaphore, #tpu.memory_space<semaphore_mem>>
      %dma_start3A_24 = arith.constant 0 : i32
      %dma_start3A_25 = tpu.memref_slice %arg5[%add3A_12, %dma_start3A_24] : memref<8192x128xf32, #tpu.memory_space<hbm>> -> memref<256x128xf32, #tpu.memory_space<hbm>>
      %dma_start3A_26 = arith.constant 0 : i32
      %dma_start3A_27 = tpu.memref_slice %arg5[%add3A_12, %dma_start3A_26] : memref<8192x128xf32, #tpu.memory_space<hbm>> -> memref<256x128xf32, #tpu.memory_space<hbm>>
      tpu.enqueue_dma source(%arg8 : memref<256x128xf32, #tpu.memory_space<vmem>>) target(%dma_start3A_27 : memref<256x128xf32, #tpu.memory_space<hbm>>) target_semaphore(%run_scoped3A : memref<!tpu.dma_semaphore, #tpu.memory_space<semaphore_mem>>)
      %dma_wait3A_28 = arith.constant 0 : i32
      %dma_wait3A_29 = tpu.memref_slice %arg5[%add3A_12, %dma_wait3A_28] : memref<8192x128xf32, #tpu.memory_space<hbm>> -> memref<256x128xf32, #tpu.memory_space<hbm>>
      %dma_wait3A_30 = arith.constant 0 : i32
      %dma_wait3A_31 = tpu.memref_slice %arg5[%add3A_12, %dma_wait3A_30] : memref<8192x128xf32, #tpu.memory_space<hbm>> -> memref<256x128xf32, #tpu.memory_space<hbm>>
      tpu.wait_dma2 semaphore(%run_scoped3A : memref<!tpu.dma_semaphore, #tpu.memory_space<semaphore_mem>>) src(%arg8 : memref<256x128xf32, #tpu.memory_space<vmem>>) dst(%dma_wait3A_31 : memref<256x128xf32, #tpu.memory_space<hbm>>)
      tpu.yield
    }) : () -> ()
    %barrier3A = arith.constant 0 : index
    tpu.barrier barrier_id(%barrier3A)
    %dma_wait3A = tpu.memref_slice %arg3[%mul3A_2] : memref<1024xi32, #tpu.memory_space<hbm>> -> memref<32xi32, #tpu.memory_space<hbm>>
    %dma_wait3A_13 = tpu.memref_slice %arg3[%mul3A_2] : memref<1024xi32, #tpu.memory_space<hbm>> -> memref<32xi32, #tpu.memory_space<hbm>>
    tpu.wait_dma2 semaphore(%arg10 : memref<!tpu.dma_semaphore, #tpu.memory_space<semaphore_mem>>) src(%dma_wait3A_13 : memref<32xi32, #tpu.memory_space<hbm>>) dst(%arg6 : memref<32xi32, #tpu.memory_space<vmem>>)
    %dma_wait3A_14 = arith.constant 0 : i32
    %dma_wait3A_15 = tpu.memref_slice %arg2[%mul3A_2, %dma_wait3A_14] : memref<1024x128xf32, #tpu.memory_space<hbm>> -> memref<32x128xf32, #tpu.memory_space<hbm>>
    %dma_wait3A_16 = arith.constant 0 : i32
    %dma_wait3A_17 = tpu.memref_slice %arg2[%mul3A_2, %dma_wait3A_16] : memref<1024x128xf32, #tpu.memory_space<hbm>> -> memref<32x128xf32, #tpu.memory_space<hbm>>
    tpu.wait_dma2 semaphore(%arg11 : memref<!tpu.dma_semaphore, #tpu.memory_space<semaphore_mem>>) src(%dma_wait3A_17 : memref<32x128xf32, #tpu.memory_space<hbm>>) dst(%arg7 : memref<32x128xf32, #tpu.memory_space<vmem>>)
    %dma_start3A_18 = arith.constant 0 : i32
    %dma_start3A_19 = arith.constant 0 : i32
    %dma_start3A_20 = tpu.memref_slice %arg5[%dma_start3A_18, %dma_start3A_19] : memref<8192x128xf32, #tpu.memory_space<hbm>> -> memref<8192x128xf32, #tpu.memory_space<hbm>>
    tpu.enqueue_indirect_dma source(%arg7 : memref<32x128xf32, #tpu.memory_space<vmem>>) target(%dma_start3A_20 : memref<8192x128xf32, #tpu.memory_space<hbm>>) offsets(%arg6 : memref<32xi32, #tpu.memory_space<vmem>>) semaphore(%arg9 : memref<!tpu.dma_semaphore, #tpu.memory_space<semaphore_mem>>)
    %dma_wait3A_21 = arith.constant 0 : i32
    %dma_wait3A_22 = arith.constant 0 : i32
    %dma_wait3A_23 = tpu.memref_slice %arg5[%dma_wait3A_21, %dma_wait3A_22] : memref<8192x128xf32, #tpu.memory_space<hbm>> -> memref<8192x128xf32, #tpu.memory_space<hbm>>
    tpu.wait_indirect_dma semaphore(%arg9 : memref<!tpu.dma_semaphore, #tpu.memory_space<semaphore_mem>>) src(%arg7 : memref<32x128xf32, #tpu.memory_space<vmem>>) dst(%dma_wait3A_23 : memref<8192x128xf32, #tpu.memory_space<hbm>>)
    return
  }
}

#map = affine_map<(d0, d1) -> (0, 0)>
#map1 = affine_map<(d0, d1) -> (0)>
module attributes {stable_mosaic.version = 14 : i64} {
  func.func @gather_kernel(%arg0: i32, %arg1: i32, %arg2: memref<8192x2048xf32, #tpu.memory_space<hbm>>, %arg3: memref<1024xi32, #tpu.memory_space<hbm>>, %arg4: memref<1024x2048xf32, #tpu.memory_space<hbm>>, %arg5: memref<32xi32, #tpu.memory_space<vmem>>, %arg6: memref<32x2048xf32, #tpu.memory_space<vmem>>, %arg7: memref<!tpu.dma_semaphore, #tpu.memory_space<semaphore_mem>>, %arg8: memref<!tpu.dma_semaphore, #tpu.memory_space<semaphore_mem>>) attributes {dimension_semantics = [#tpu.dimension_semantics<core_parallel>, #tpu.dimension_semantics<subcore_parallel>], iteration_bounds = array<i64: 2, 16>, scalar_prefetch = 0 : i64, scratch_operands = 4 : i64, tpu.core_type = #tpu.core_type<sc_vector_subcore>, window_params = [{transform_indices = #map}, {transform_indices = #map1}, {transform_indices = #map}]} {
    %mul3A = arith.constant 2 : i32
    %mul3A_0 = arith.muli %arg1, %mul3A : i32
    %add3A = arith.addi %mul3A_0, %arg0 : i32
    %mul3A_1 = arith.constant 32 : i32
    %mul3A_2 = arith.muli %add3A, %mul3A_1 : i32
    "tpu.region"() ({
      %run_scoped3A = tpu.sem_alloc : memref<!tpu.dma_semaphore, #tpu.memory_space<semaphore_mem>>
      %dma_start3A_72 = tpu.memref_slice %arg3[%mul3A_2] : memref<1024xi32, #tpu.memory_space<hbm>> -> memref<32xi32, #tpu.memory_space<hbm>>
      %dma_start3A_73 = tpu.memref_slice %arg3[%mul3A_2] : memref<1024xi32, #tpu.memory_space<hbm>> -> memref<32xi32, #tpu.memory_space<hbm>>
      tpu.enqueue_dma source(%dma_start3A_73 : memref<32xi32, #tpu.memory_space<hbm>>) target(%arg5 : memref<32xi32, #tpu.memory_space<vmem>>) target_semaphore(%run_scoped3A : memref<!tpu.dma_semaphore, #tpu.memory_space<semaphore_mem>>)
      %dma_wait3A_74 = tpu.memref_slice %arg3[%mul3A_2] : memref<1024xi32, #tpu.memory_space<hbm>> -> memref<32xi32, #tpu.memory_space<hbm>>
      %dma_wait3A_75 = tpu.memref_slice %arg3[%mul3A_2] : memref<1024xi32, #tpu.memory_space<hbm>> -> memref<32xi32, #tpu.memory_space<hbm>>
      tpu.wait_dma2 semaphore(%run_scoped3A : memref<!tpu.dma_semaphore, #tpu.memory_space<semaphore_mem>>) src(%dma_wait3A_75 : memref<32xi32, #tpu.memory_space<hbm>>) dst(%arg5 : memref<32xi32, #tpu.memory_space<vmem>>)
      tpu.yield
    }) : () -> ()
    %get3A = arith.constant 0 : index
    %get3A_3 = tpu.vector_load %arg5[%get3A] {strides = array<i32>} : memref<32xi32, #tpu.memory_space<vmem>>, vector<16xi32>,
    %get3A_4 = vector.shape_cast %get3A_3 : vector<16xi32> to vector<16xi32>
    %get3A_5 = arith.constant 16 : index
    %get3A_6 = tpu.vector_load %arg5[%get3A_5] {strides = array<i32>} : memref<32xi32, #tpu.memory_space<vmem>>, vector<16xi32>,
    %get3A_7 = vector.shape_cast %get3A_6 : vector<16xi32> to vector<16xi32>
    %dma_start3A = arith.constant 0 : i32
    %dma_start3A_8 = arith.constant 0 : i32
    %dma_start3A_9 = tpu.memref_slice %arg6[%dma_start3A, %dma_start3A_8] : memref<32x2048xf32, #tpu.memory_space<vmem>> -> memref<16x2048xf32, #tpu.memory_space<vmem>>
    %dma_start3A_10 = arith.constant 0 : i32
    %dma_start3A_11 = arith.constant 0 : i32
    %dma_start3A_12 = tpu.memref_slice %arg2[%dma_start3A_10, %dma_start3A_11] : memref<8192x2048xf32, #tpu.memory_space<hbm>> -> memref<8192x2048xf32, #tpu.memory_space<hbm>>
    tpu.enqueue_indirect_dma source(%dma_start3A_12 : memref<8192x2048xf32, #tpu.memory_space<hbm>>) target(%dma_start3A_9 : memref<16x2048xf32, #tpu.memory_space<vmem>>) offsets(%get3A_4 : vector<16xi32>) semaphore(%arg7 : memref<!tpu.dma_semaphore, #tpu.memory_space<semaphore_mem>>)
    %dma_start3A_13 = arith.constant 16 : i32
    %dma_start3A_14 = arith.constant 0 : i32
    %dma_start3A_15 = tpu.memref_slice %arg6[%dma_start3A_13, %dma_start3A_14] : memref<32x2048xf32, #tpu.memory_space<vmem>> -> memref<16x2048xf32, #tpu.memory_space<vmem>>
    %dma_start3A_16 = arith.constant 0 : i32
    %dma_start3A_17 = arith.constant 0 : i32
    %dma_start3A_18 = tpu.memref_slice %arg2[%dma_start3A_16, %dma_start3A_17] : memref<8192x2048xf32, #tpu.memory_space<hbm>> -> memref<8192x2048xf32, #tpu.memory_space<hbm>>
    tpu.enqueue_indirect_dma source(%dma_start3A_18 : memref<8192x2048xf32, #tpu.memory_space<hbm>>) target(%dma_start3A_15 : memref<16x2048xf32, #tpu.memory_space<vmem>>) offsets(%get3A_7 : vector<16xi32>) semaphore(%arg8 : memref<!tpu.dma_semaphore, #tpu.memory_space<semaphore_mem>>)
    %dma_wait3A = arith.constant 0 : i32
    %dma_wait3A_19 = arith.constant 0 : i32
    %dma_wait3A_20 = tpu.memref_slice %arg6[%dma_wait3A, %dma_wait3A_19] : memref<32x2048xf32, #tpu.memory_space<vmem>> -> memref<16x2048xf32, #tpu.memory_space<vmem>>
    %dma_wait3A_21 = arith.constant 0 : i32
    %dma_wait3A_22 = arith.constant 0 : i32
    %dma_wait3A_23 = tpu.memref_slice %arg2[%dma_wait3A_21, %dma_wait3A_22] : memref<8192x2048xf32, #tpu.memory_space<hbm>> -> memref<8192x2048xf32, #tpu.memory_space<hbm>>
    tpu.wait_indirect_dma semaphore(%arg7 : memref<!tpu.dma_semaphore, #tpu.memory_space<semaphore_mem>>) src(%dma_wait3A_23 : memref<8192x2048xf32, #tpu.memory_space<hbm>>) dst(%dma_wait3A_20 : memref<16x2048xf32, #tpu.memory_space<vmem>>)
    %dma_start3A_24 = arith.constant 0 : i32
    %dma_start3A_25 = arith.constant 0 : i32
    %dma_start3A_26 = tpu.memref_slice %arg6[%dma_start3A_24, %dma_start3A_25] : memref<32x2048xf32, #tpu.memory_space<vmem>> -> memref<16x2048xf32, #tpu.memory_space<vmem>>
    %dma_start3A_27 = arith.constant 0 : i32
    %dma_start3A_28 = tpu.memref_slice %arg4[%mul3A_2, %dma_start3A_27] : memref<1024x2048xf32, #tpu.memory_space<hbm>> -> memref<16x2048xf32, #tpu.memory_space<hbm>>
    %dma_start3A_29 = arith.constant 0 : i32
    %dma_start3A_30 = tpu.memref_slice %arg4[%mul3A_2, %dma_start3A_29] : memref<1024x2048xf32, #tpu.memory_space<hbm>> -> memref<16x2048xf32, #tpu.memory_space<hbm>>
    %dma_start3A_31 = arith.constant 0 : i32
    %dma_start3A_32 = arith.constant 0 : i32
    %dma_start3A_33 = tpu.memref_slice %arg6[%dma_start3A_31, %dma_start3A_32] : memref<32x2048xf32, #tpu.memory_space<vmem>> -> memref<16x2048xf32, #tpu.memory_space<vmem>>
    tpu.enqueue_dma source(%dma_start3A_33 : memref<16x2048xf32, #tpu.memory_space<vmem>>) target(%dma_start3A_30 : memref<16x2048xf32, #tpu.memory_space<hbm>>) target_semaphore(%arg7 : memref<!tpu.dma_semaphore, #tpu.memory_space<semaphore_mem>>)
    %dma_wait3A_34 = arith.constant 16 : i32
    %dma_wait3A_35 = arith.constant 0 : i32
    %dma_wait3A_36 = tpu.memref_slice %arg6[%dma_wait3A_34, %dma_wait3A_35] : memref<32x2048xf32, #tpu.memory_space<vmem>> -> memref<16x2048xf32, #tpu.memory_space<vmem>>
    %dma_wait3A_37 = arith.constant 0 : i32
    %dma_wait3A_38 = arith.constant 0 : i32
    %dma_wait3A_39 = tpu.memref_slice %arg2[%dma_wait3A_37, %dma_wait3A_38] : memref<8192x2048xf32, #tpu.memory_space<hbm>> -> memref<8192x2048xf32, #tpu.memory_space<hbm>>
    tpu.wait_indirect_dma semaphore(%arg8 : memref<!tpu.dma_semaphore, #tpu.memory_space<semaphore_mem>>) src(%dma_wait3A_39 : memref<8192x2048xf32, #tpu.memory_space<hbm>>) dst(%dma_wait3A_36 : memref<16x2048xf32, #tpu.memory_space<vmem>>)
    %add3A_40 = arith.constant 16 : i32
    %add3A_41 = arith.addi %mul3A_2, %add3A_40 : i32
    %dma_start3A_42 = arith.constant 16 : i32
    %dma_start3A_43 = arith.constant 0 : i32
    %dma_start3A_44 = tpu.memref_slice %arg6[%dma_start3A_42, %dma_start3A_43] : memref<32x2048xf32, #tpu.memory_space<vmem>> -> memref<16x2048xf32, #tpu.memory_space<vmem>>
    %dma_start3A_45 = arith.constant 0 : i32
    %dma_start3A_46 = tpu.memref_slice %arg4[%add3A_41, %dma_start3A_45] : memref<1024x2048xf32, #tpu.memory_space<hbm>> -> memref<16x2048xf32, #tpu.memory_space<hbm>>
    %dma_start3A_47 = arith.constant 0 : i32
    %dma_start3A_48 = tpu.memref_slice %arg4[%add3A_41, %dma_start3A_47] : memref<1024x2048xf32, #tpu.memory_space<hbm>> -> memref<16x2048xf32, #tpu.memory_space<hbm>>
    %dma_start3A_49 = arith.constant 16 : i32
    %dma_start3A_50 = arith.constant 0 : i32
    %dma_start3A_51 = tpu.memref_slice %arg6[%dma_start3A_49, %dma_start3A_50] : memref<32x2048xf32, #tpu.memory_space<vmem>> -> memref<16x2048xf32, #tpu.memory_space<vmem>>
    tpu.enqueue_dma source(%dma_start3A_51 : memref<16x2048xf32, #tpu.memory_space<vmem>>) target(%dma_start3A_48 : memref<16x2048xf32, #tpu.memory_space<hbm>>) target_semaphore(%arg8 : memref<!tpu.dma_semaphore, #tpu.memory_space<semaphore_mem>>)
    %dma_wait3A_52 = arith.constant 0 : i32
    %dma_wait3A_53 = arith.constant 0 : i32
    %dma_wait3A_54 = tpu.memref_slice %arg6[%dma_wait3A_52, %dma_wait3A_53] : memref<32x2048xf32, #tpu.memory_space<vmem>> -> memref<16x2048xf32, #tpu.memory_space<vmem>>
    %dma_wait3A_55 = arith.constant 0 : i32
    %dma_wait3A_56 = tpu.memref_slice %arg4[%mul3A_2, %dma_wait3A_55] : memref<1024x2048xf32, #tpu.memory_space<hbm>> -> memref<16x2048xf32, #tpu.memory_space<hbm>>
    %dma_wait3A_57 = arith.constant 0 : i32
    %dma_wait3A_58 = tpu.memref_slice %arg4[%mul3A_2, %dma_wait3A_57] : memref<1024x2048xf32, #tpu.memory_space<hbm>> -> memref<16x2048xf32, #tpu.memory_space<hbm>>
    %dma_wait3A_59 = arith.constant 0 : i32
    %dma_wait3A_60 = arith.constant 0 : i32
    %dma_wait3A_61 = tpu.memref_slice %arg6[%dma_wait3A_59, %dma_wait3A_60] : memref<32x2048xf32, #tpu.memory_space<vmem>> -> memref<16x2048xf32, #tpu.memory_space<vmem>>
    tpu.wait_dma2 semaphore(%arg7 : memref<!tpu.dma_semaphore, #tpu.memory_space<semaphore_mem>>) src(%dma_wait3A_61 : memref<16x2048xf32, #tpu.memory_space<vmem>>) dst(%dma_wait3A_58 : memref<16x2048xf32, #tpu.memory_space<hbm>>)
    %dma_wait3A_62 = arith.constant 16 : i32
    %dma_wait3A_63 = arith.constant 0 : i32
    %dma_wait3A_64 = tpu.memref_slice %arg6[%dma_wait3A_62, %dma_wait3A_63] : memref<32x2048xf32, #tpu.memory_space<vmem>> -> memref<16x2048xf32, #tpu.memory_space<vmem>>
    %dma_wait3A_65 = arith.constant 0 : i32
    %dma_wait3A_66 = tpu.memref_slice %arg4[%add3A_41, %dma_wait3A_65] : memref<1024x2048xf32, #tpu.memory_space<hbm>> -> memref<16x2048xf32, #tpu.memory_space<hbm>>
    %dma_wait3A_67 = arith.constant 0 : i32
    %dma_wait3A_68 = tpu.memref_slice %arg4[%add3A_41, %dma_wait3A_67] : memref<1024x2048xf32, #tpu.memory_space<hbm>> -> memref<16x2048xf32, #tpu.memory_space<hbm>>
    %dma_wait3A_69 = arith.constant 16 : i32
    %dma_wait3A_70 = arith.constant 0 : i32
    %dma_wait3A_71 = tpu.memref_slice %arg6[%dma_wait3A_69, %dma_wait3A_70] : memref<32x2048xf32, #tpu.memory_space<vmem>> -> memref<16x2048xf32, #tpu.memory_space<vmem>>
    tpu.wait_dma2 semaphore(%arg8 : memref<!tpu.dma_semaphore, #tpu.memory_space<semaphore_mem>>) src(%dma_wait3A_71 : memref<16x2048xf32, #tpu.memory_space<vmem>>) dst(%dma_wait3A_68 : memref<16x2048xf32, #tpu.memory_space<hbm>>)
    return
  }
}

module attributes {stable_mosaic.version = 14 : i64} {
  func.func @_qnorm_body(%arg0: i32, %arg1: memref<1024x2048xf32, #tpu.memory_space<vmem>>, %arg2: memref<2048x128xf32, #tpu.memory_space<vmem>>, %arg3: memref<1024x128xf32, #tpu.memory_space<vmem>>) attributes {dimension_semantics = [#tpu.dimension_semantics<arbitrary>], iteration_bounds = array<i64: 8>, scalar_prefetch = 0 : i64, scratch_operands = 0 : i64, tpu.core_type = #tpu.core_type<tc>, window_params = [{transform_indices = @transform_0, window_bounds = array<i64: 1024, 2048>}, {pipeline_mode = #tpu.pipeline_mode<synchronous>, transform_indices = @transform_1, window_bounds = array<i64: 2048, 128>}, {transform_indices = @transform_2, window_bounds = array<i64: 1024, 128>}]} {
    %get3A = arith.constant 0 : index
    %get3A_0 = arith.constant 0 : index
    %get3A_1 = vector.load %arg1[%get3A, %get3A_0] : memref<1024x2048xf32, #tpu.memory_space<vmem>>, vector<1024x2048xf32>
    %get3A_2 = arith.constant 0 : index
    %get3A_3 = arith.constant 0 : index
    %get3A_4 = vector.load %arg2[%get3A_2, %get3A_3] : memref<2048x128xf32, #tpu.memory_space<vmem>>, vector<2048x128xf32>
    %dot_general3A = arith.constant dense<0.000000e+00> : vector<1024x128xf32>
    %dot_general3A_5 = tpu.matmul %get3A_1, %get3A_4, %dot_general3A {dimension_numbers = #tpu.dot_dimension_numbers<[1], [0], [0], [1], [0, 0, 1, 1], [], []>, transpose_lhs_hint = false} : vector<1024x2048xf32>, vector<2048x128xf32>, vector<1024x128xf32> -> vector<1024x128xf32>
    %mul3A = arith.mulf %dot_general3A_5, %dot_general3A_5 : vector<1024x128xf32>
    %reduce_sum3A = arith.constant dense<0.000000e+00> : vector<1024xf32>
    %reduce_sum3A_6 = vector.multi_reduction <add>, %mul3A, %reduce_sum3A [1] : vector<1024x128xf32> to vector<1024xf32>
    %sqrt3A = math.sqrt %reduce_sum3A_6 : vector<1024xf32>
    %broadcast_in_dim3A = vector.shape_cast %sqrt3A : vector<1024xf32> to vector<1024x1xf32>
    %broadcast_in_dim3A_7 = vector.shape_cast %broadcast_in_dim3A : vector<1024x1xf32> to vector<1024x1xf32>
    %broadcast_in_dim3A_8 = vector.broadcast %broadcast_in_dim3A_7 : vector<1024x1xf32> to vector<1024x128xf32>
    %swap3A = arith.constant 0 : index
    %swap3A_9 = arith.constant 0 : index
    %swap3A_10 = vector.load %arg3[%swap3A, %swap3A_9] : memref<1024x128xf32, #tpu.memory_space<vmem>>, vector<1024x128xf32>
    tpu.vector_store %arg3[%swap3A, %swap3A_9], %broadcast_in_dim3A_8 {strides = array<i32>} : memref<1024x128xf32, #tpu.memory_space<vmem>>, vector<1024x128xf32>,
    return
  }
  func.func @transform_0(%arg0: i32) -> (i32, i32) {
    %c0_i32 = arith.constant 0 : i32
    %c0_i32_0 = arith.constant 0 : i32
    return %arg0, %c0_i32 : i32, i32
  }
  func.func @transform_1(%arg0: i32) -> (i32, i32) {
    %c0_i32 = arith.constant 0 : i32
    %c0_i32_0 = arith.constant 0 : i32
    %c0_i32_1 = arith.constant 0 : i32
    return %c0_i32, %c0_i32_0 : i32, i32
  }
  func.func @transform_2(%arg0: i32) -> (i32, i32) {
    %c0_i32 = arith.constant 0 : i32
    %c0_i32_0 = arith.constant 0 : i32
    return %arg0, %c0_i32 : i32, i32
  }
}

module attributes {stable_mosaic.version = 14 : i64} {
  func.func @_attn_body(%arg0: i32, %arg1: memref<512x2048xf32, #tpu.memory_space<vmem>>, %arg2: memref<2048x128xf32, #tpu.memory_space<vmem>>, %arg3: memref<2048x128xf32, #tpu.memory_space<vmem>>, %arg4: memref<2048x128xf32, #tpu.memory_space<vmem>>, %arg5: memref<512x128xf32, #tpu.memory_space<vmem>>) attributes {dimension_semantics = [#tpu.dimension_semantics<arbitrary>], iteration_bounds = array<i64: 2>, scalar_prefetch = 0 : i64, scratch_operands = 0 : i64, tpu.core_type = #tpu.core_type<tc>, window_params = [{transform_indices = @transform_0, window_bounds = array<i64: 512, 2048>}, {pipeline_mode = #tpu.pipeline_mode<synchronous>, transform_indices = @transform_1, window_bounds = array<i64: 2048, 128>}, {pipeline_mode = #tpu.pipeline_mode<synchronous>, transform_indices = @transform_2, window_bounds = array<i64: 2048, 128>}, {pipeline_mode = #tpu.pipeline_mode<synchronous>, transform_indices = @transform_3, window_bounds = array<i64: 2048, 128>}, {transform_indices = @transform_4, window_bounds = array<i64: 512, 128>}]} {
    %get3A = arith.constant 0 : index
    %get3A_0 = arith.constant 0 : index
    %get3A_1 = vector.load %arg1[%get3A, %get3A_0] : memref<512x2048xf32, #tpu.memory_space<vmem>>, vector<512x2048xf32>
    %get3A_2 = arith.constant 0 : index
    %get3A_3 = arith.constant 0 : index
    %get3A_4 = vector.load %arg2[%get3A_2, %get3A_3] : memref<2048x128xf32, #tpu.memory_space<vmem>>, vector<2048x128xf32>
    %dot_general3A = arith.constant dense<0.000000e+00> : vector<512x128xf32>
    %dot_general3A_5 = tpu.matmul %get3A_1, %get3A_4, %dot_general3A {dimension_numbers = #tpu.dot_dimension_numbers<[1], [0], [0], [1], [0, 0, 1, 1], [], []>, transpose_lhs_hint = false} : vector<512x2048xf32>, vector<2048x128xf32>, vector<512x128xf32> -> vector<512x128xf32>
    %get3A_6 = arith.constant 0 : index
    %get3A_7 = arith.constant 0 : index
    %get3A_8 = vector.load %arg3[%get3A_6, %get3A_7] : memref<2048x128xf32, #tpu.memory_space<vmem>>, vector<2048x128xf32>
    %dot_general3A_9 = arith.constant dense<0.000000e+00> : vector<512x128xf32>
    %dot_general3A_10 = tpu.matmul %get3A_1, %get3A_8, %dot_general3A_9 {dimension_numbers = #tpu.dot_dimension_numbers<[1], [0], [0], [1], [0, 0, 1, 1], [], []>, transpose_lhs_hint = false} : vector<512x2048xf32>, vector<2048x128xf32>, vector<512x128xf32> -> vector<512x128xf32>
    %get3A_11 = arith.constant 0 : index
    %get3A_12 = arith.constant 0 : index
    %get3A_13 = vector.load %arg4[%get3A_11, %get3A_12] : memref<2048x128xf32, #tpu.memory_space<vmem>>, vector<2048x128xf32>
    %dot_general3A_14 = arith.constant dense<0.000000e+00> : vector<512x128xf32>
    %dot_general3A_15 = tpu.matmul %get3A_1, %get3A_13, %dot_general3A_14 {dimension_numbers = #tpu.dot_dimension_numbers<[1], [0], [0], [1], [0, 0, 1, 1], [], []>, transpose_lhs_hint = false} : vector<512x2048xf32>, vector<2048x128xf32>, vector<512x128xf32> -> vector<512x128xf32>
    %dot_general3A_16 = arith.constant dense<0.000000e+00> : vector<512x512xf32>
    %dot_general3A_17 = tpu.matmul %dot_general3A_5, %dot_general3A_10, %dot_general3A_16 {dimension_numbers = #tpu.dot_dimension_numbers<[1], [1], [0], [0], [0, 0, 1, 0], [], []>, transpose_lhs_hint = false} : vector<512x128xf32>, vector<512x128xf32>, vector<512x512xf32> -> vector<512x512xf32>
    %mul3A = arith.constant 0.0883883461 : f32
    %mul3A_18 = vector.broadcast %mul3A : f32 to vector<512x512xf32>
    %mul3A_19 = arith.mulf %dot_general3A_17, %mul3A_18 : vector<512x512xf32>
    %iota3A = tpu.iota {dimensions = array<i32: 1>} : vector<512x512xi32>
    %lt3A = arith.constant 409 : i32
    %lt3A_20 = vector.broadcast %lt3A : i32 to vector<512x512xi32>
    %lt3A_21 = arith.cmpi slt, %iota3A, %lt3A_20 : vector<512x512xi32>
    %jit3A = arith.constant 0xFF800000 : f32
    %broadcast_in_dim3A = vector.broadcast %jit3A : f32 to vector<512x512xf32>
    %select_n3A = arith.select %lt3A_21, %mul3A_19, %broadcast_in_dim3A : vector<512x512xi1>, vector<512x512xf32>
    %reduce_max3A = arith.constant dense<0xFF800000> : vector<512xf32>
    %reduce_max3A_22 = vector.multi_reduction <maximumf>, %select_n3A, %reduce_max3A [1] : vector<512x512xf32> to vector<512xf32>
    %broadcast_in_dim3A_23 = vector.shape_cast %reduce_max3A_22 : vector<512xf32> to vector<512x1xf32>
    %sub3A = vector.broadcast %broadcast_in_dim3A_23 : vector<512x1xf32> to vector<512x512xf32>
    %sub3A_24 = arith.subf %select_n3A, %sub3A : vector<512x512xf32>
    %exp3A = math.exp %sub3A_24 : vector<512x512xf32>
    %reduce_sum3A = arith.constant dense<0.000000e+00> : vector<512xf32>
    %reduce_sum3A_25 = vector.multi_reduction <add>, %exp3A, %reduce_sum3A [1] : vector<512x512xf32> to vector<512xf32>
    %broadcast_in_dim3A_26 = vector.shape_cast %reduce_sum3A_25 : vector<512xf32> to vector<512x1xf32>
    %div3A = vector.broadcast %broadcast_in_dim3A_26 : vector<512x1xf32> to vector<512x512xf32>
    %div3A_27 = arith.divf %exp3A, %div3A : vector<512x512xf32>
    %dot_general3A_28 = arith.constant dense<0.000000e+00> : vector<512x128xf32>
    %dot_general3A_29 = tpu.matmul %div3A_27, %dot_general3A_15, %dot_general3A_28 {dimension_numbers = #tpu.dot_dimension_numbers<[1], [0], [0], [1], [0, 0, 1, 1], [], []>, transpose_lhs_hint = false} : vector<512x512xf32>, vector<512x128xf32>, vector<512x128xf32> -> vector<512x128xf32>
    %swap3A = arith.constant 0 : index
    %swap3A_30 = arith.constant 0 : index
    %swap3A_31 = vector.load %arg5[%swap3A, %swap3A_30] : memref<512x128xf32, #tpu.memory_space<vmem>>, vector<512x128xf32>
    tpu.vector_store %arg5[%swap3A, %swap3A_30], %dot_general3A_29 {strides = array<i32>} : memref<512x128xf32, #tpu.memory_space<vmem>>, vector<512x128xf32>,
    return
  }
  func.func @transform_0(%arg0: i32) -> (i32, i32) {
    %c0_i32 = arith.constant 0 : i32
    %c0_i32_0 = arith.constant 0 : i32
    return %arg0, %c0_i32 : i32, i32
  }
  func.func @transform_1(%arg0: i32) -> (i32, i32) {
    %c0_i32 = arith.constant 0 : i32
    %c0_i32_0 = arith.constant 0 : i32
    %c0_i32_1 = arith.constant 0 : i32
    return %c0_i32, %c0_i32_0 : i32, i32
  }
  func.func @transform_2(%arg0: i32) -> (i32, i32) {
    %c0_i32 = arith.constant 0 : i32
    %c0_i32_0 = arith.constant 0 : i32
    %c0_i32_1 = arith.constant 0 : i32
    return %c0_i32, %c0_i32_0 : i32, i32
  }
  func.func @transform_3(%arg0: i32) -> (i32, i32) {
    %c0_i32 = arith.constant 0 : i32
    %c0_i32_0 = arith.constant 0 : i32
    %c0_i32_1 = arith.constant 0 : i32
    return %c0_i32, %c0_i32_0 : i32, i32
  }
  func.func @transform_4(%arg0: i32) -> (i32, i32) {
    %c0_i32 = arith.constant 0 : i32
    %c0_i32_0 = arith.constant 0 : i32
    return %arg0, %c0_i32 : i32, i32
  }
}

</mosaic_0001>

<sc_bundles>
// kernel: kernel.6.cloned.1.call-start
scs
__scs_entry_jumppad:
0x0: {  	(pc) =	sbr.rel $0x88, $3  }
0x1: {  	(tag) =	ssettag $0x0;
	lr =	simm.s32 $0x1  }
0x2: {  	[smem:$0x3F9D] =	sst lr;
	_ =	strace $0xD0000000  }
0x3: {  	_ = 	snop  }
0x4: {  	_ = 	snop  }
0x5: {  	_ = 	snop  }
0x6: {  	_ = 	snop  }
0x7: {  	_ = 	snop  }
__scs_overlays_trampoline_lowered:
0x8: {  	[smem:$0x3FAC] =	sst s0  }
0x9: {  	[smem:$0x3FAD] =	sst s1  }
0xa: {  	[smem:$0x3FAE] =	sst s2  }
0xb: {  	[smem:$0x3FAF] =	sst s3  }
0xc: {  	[smem:$0x3FB0] =	sst s4  }
0xd: {  	[smem:$0x3FB1] =	sst s5  }
0xe: {  	[smem:$0x3FB2] =	sst s6  }
0xf: {  	[smem:$0x3FB3] =	sst s7  }
0x10: {  	[smem:$0x3FB4] =	sst s8  }
0x11: {  	[smem:$0x3FB5] =	sst s9;
	s0 =	simm.s32 @!p0 $0x0  }
0x12: {  	s1 =	sld [smem:$0x3F9B];
	s0 =	simm.s32 @p0 $0x1  }
0x13: {  	[smem:$0x3FB6] =	sst s0;
	s0 =	simm.s32 @!p1 $0x0  }
0x14: {  	s2 =	sld [smem:$0x3F9A];
	s0 =	simm.s32 @p1 $0x1  }
0x15: {  	[smem:$0x3FB7] =	sst s0;
	s0 =	simm.s32 @!p2 $0x0  }
0x16: {  	s3 =	sld [smem:$0x3FDB];
	s0 =	simm.s32 @p2 $0x1  }
0x17: {  	s4 =	simm.s32 $0x1BF5;
	[smem:$0x3FB9] =	sst s0  }
0x18: {  	s0 =	sld [smem:$0x3F9C];
	_ =	swait.ge [sflag:s4], $0x0  }
0x19: {  	s7 =	sld [smem:$0x3F9D]  }
0x1a: {  	s8 =	sadd.s32 $0xFFFFE003, lr  }
0x1b: {  	s9 =	sadd.s32 $0xFFFFFEF7, lr;
	s5 =	simm.s32 $0xFFFFFFFF;
	p2 =	slt.u32 s8, $0xFFFFF086  }
0x1c: {  	p1 =	slt.u32 s9, $0xF7A;
	s5 =	simm.s32 @!p2 $0x0  }
0x1d: {  	s5 =	simm.s32 @p1 $0x1;
	p0 =	seq.s32 s7, s2  }
0x1e: {  	s7 =	smul.u32 @!p0 $0xF7A, s2;
	p2 =	seq.s32 @!p0 s5, $0x0  }
0x1f: {  	s9 =	smul.u32 $0xF7A, s1;
	s8 =	simm.s32 @!p0 $0x1BF5;
	p2 =	por !p2, p0  }
0x20: {  	[sflag:s8] =	ssyncset.s32 @!p0 $0xFFFFF086;
	s6 =	sadd.s32 @!p0 s3, s7;
	s7 =	simm.s32 @!p0 $0x108  }
0x21: {  	s3 =	sadd.s32 s3, s9;
	s6 =	sadd.s32 @!p0 $0x88, s6;
	s7 =	simm.s32 @p2 $0x1082  }
0x22: {  	[simem:s7], [sflag:s8] =	dma.local @!p0 [hbm:s6], $0xF7A  }
0x23: {  	s9 =	sor.u32 $0xD0000000, s2;
	s6 =	simm.s32 $0x108;
	_ =	swait.ge @!p0 [sflag:s8], $0x0  }
0x24: {  	s3 =	sadd.s32 $0x88, s3;
	s6 =	simm.s32 @!p1 $0x1082;
	[sflag:s4] =	ssyncset.s32 $0xFFFFF086  }
0x25: {  	[simem:s6], [sflag:s4] =	dma.local [hbm:s3], $0xF7A  }
0x26: {  	[smem:$0x3F9D] =	sst s1;
	(tag) =	ssettag s2;
	_ =	strace s9  }
0x27: {  	s1 =	sld [smem:$0x3FAD]  }
0x28: {  	s2 =	sld [smem:$0x3FAE]  }
0x29: {  	s4 =	sld [smem:$0x3FB0]  }
0x2a: {  	p0 =	seq.s32 s5, $0x0;
	s5 =	sld [smem:$0x3FB1]  }
0x2b: {  	s6 =	sld [smem:$0x3FB2]  }
0x2c: {  	s7 =	sld [smem:$0x3FB3]  }
0x2d: {  	s3 =	simm.s32 $0x108;
	s8 =	sld [smem:$0x3FB4]  }
0x2e: {  	s3 =	simm.s32 @!p0 $0x1082;
	s9 =	sld [smem:$0x3FB5]  }
0x2f: {  	lr =	sadd.s32 s0, s3;
	s0 =	sld [smem:$0x3FAC]  }
0x30: {  	s3 =	sld [smem:$0x3FAF]  }
0x31: {  	[smem:$0x3FB8] =	sst s10  }
0x32: {  	s10 =	sld [smem:$0x3FB6];
	_ =	sdelay $0x3  }
0x33: {  	p0 =	seq.s32 s10, $0x1;
	s10 =	sld [smem:$0x3FB8];
	_ =	sdelay $0x3  }
0x34: {  	[smem:$0x3FB8] =	sst s10  }
0x35: {  	s10 =	sld [smem:$0x3FB7];
	_ =	sdelay $0x3  }
0x36: {  	p1 =	seq.s32 s10, $0x1;
	s10 =	sld [smem:$0x3FB8];
	_ =	sdelay $0x3  }
0x37: {  	[smem:$0x3FB8] =	sst s10  }
0x38: {  	s10 =	sld [smem:$0x3FB9]  }
0x39: {  	_ = 	snop;
	(pc) =	sbr.ind lr, $3  }
0x3a: {  	_ = 	snop  }
0x3b: {  	_ = 	snop  }
0x3c: {  	p2 =	seq.s32 s10, $0x1;
	s10 =	sld [smem:$0x3FB8]  }
0x3d: {  	_ =	shalt  }
0x3e: {  	_ =	shalt  }
0x3f: {  	_ =	shalt  }
0x40: {  	_ =	shalt  }
0x41: {  	_ =	shalt  }
0x42: {  	_ =	shalt  }
0x43: {  	_ =	shalt  }
0x44: {  	_ =	shalt  }
0x45: {  	_ =	shalt  }
0x46: {  	_ =	shalt  }
0x47: {  	_ =	shalt  }
0x48: {  	_ =	shalt  }
0x49: {  	_ =	shalt  }
0x4a: {  	_ =	shalt  }
0x4b: {  	_ =	shalt  }
0x4c: {  	_ =	shalt  }
0x4d: {  	_ =	shalt  }
0x4e: {  	_ =	shalt  }
0x4f: {  	_ =	shalt  }
0x50: {  	_ =	shalt  }
0x51: {  	_ =	shalt  }
0x52: {  	_ =	shalt  }
0x53: {  	_ =	shalt  }
0x54: {  	_ =	shalt  }
0x55: {  	_ =	shalt  }
0x56: {  	_ =	shalt  }
0x57: {  	_ =	shalt  }
0x58: {  	_ =	shalt  }
0x59: {  	_ =	shalt  }
0x5a: {  	_ =	shalt  }
0x5b: {  	_ =	shalt  }
0x5c: {  	_ =	shalt  }
0x5d: {  	_ =	shalt  }
0x5e: {  	_ =	shalt  }
0x5f: {  	_ =	shalt  }
0x60: {  	_ =	shalt  }
0x61: {  	_ =	shalt  }
0x62: {  	_ =	shalt  }
0x63: {  	_ =	shalt  }
0x64: {  	_ =	shalt  }
0x65: {  	_ =	shalt  }
0x66: {  	_ =	shalt  }
0x67: {  	_ =	shalt  }
0x68: {  	_ =	shalt  }
0x69: {  	_ =	shalt  }
0x6a: {  	_ =	shalt  }
0x6b: {  	_ =	shalt  }
0x6c: {  	_ =	shalt  }
0x6d: {  	_ =	shalt  }
0x6e: {  	_ =	shalt  }
0x6f: {  	_ =	shalt  }
0x70: {  	_ =	shalt  }
0x71: {  	_ =	shalt  }
0x72: {  	_ =	shalt  }
0x73: {  	_ =	shalt  }
0x74: {  	_ =	shalt  }
0x75: {  	_ =	shalt  }
0x76: {  	_ =	shalt  }
0x77: {  	_ =	shalt  }
0x78: {  	_ =	shalt  }
0x79: {  	_ =	shalt  }
0x7a: {  	_ =	shalt  }
0x7b: {  	_ =	shalt  }
0x7c: {  	_ =	shalt  }
0x7d: {  	_ =	shalt  }
0x7e: {  	_ =	shalt  }
0x7f: {  	_ =	shalt  }
0x80: {  	_ =	shalt  }
0x81: {  	_ =	shalt  }
0x82: {  	_ =	shalt  }
0x83: {  	_ =	shalt  }
0x84: {  	_ =	shalt  }
0x85: {  	_ =	shalt  }
0x86: {  	_ =	shalt  }
0x87: {  	_ =	shalt  }
.Lfunc_end0:
.L_simem_size_0:
called_computation_lowered:
.L_overlay_start_0:
0x88: {  	s2 =	sld [smem:$0x3FD9]  }
0x89: {  	s3 =	sld [smem:$0x3FFE];
	_ =	sdelay $0x1  }
0x8a: {  	s1 =	srdreg.scid  }
0x8b: {  	s0 =	sand.u32 $0x1, s1  }
0x8c: {  	s17 =	sshll.u32 s0, $0xA;
	s2 =	sadd.s32 s3, s2  }
0x8d: {  	s2 =	sadd.s32 s2, s17  }
0x8e: {  	[smem:$0x3FC4] =	sst s2  }
0x8f: {  	_ = 	snop  }
0x90: {  	s2 =	sld [smem:$0x3FC9];
	(tm) =	ssettm $0x1  }
0x91: {  	s18 =	sld [smem:$0x3FFB];
	_ =	sdelay $0x3  }
0x92: {  	_ =	strace s18  }
0x93: {  	s3 =	sld [smem:$0x3FFC];
	_ =	sdelay $0x3  }
0x94: {  	_ =	strace s3  }
0x95: {  	s3 =	sld [smem:$0x3FFD];
	_ =	sdelay $0x3  }
0x96: {  	_ =	strace s3  }
0x97: {  	_ =	strace $0x8FFFFFFF  }
0x98: {  	s19 =	sld [smem:$0x3FDB];
	_ =	sdelay $0x1  }
0x99: {  	s4 =	simm.s32 $_scs_section_size  }
0x9a: {  	s5 =	simm.s32 $_size__tile_overlayer_lowered;
	s6 =	simm.s32 $_tile_overlayer_lowered  }
0x9b: {  	s22 =	simm.s32 $0x1BFF;
	s21 =	sshll.u32 s6, $0x1;
	s3 =	sadd.s32 s4, s19  }
0x9c: {  	s7 =	simm.s32 $0x0;
	s20 =	sshll.u32 s5, $0x1;
	s5 =	sadd.s32 s21, s3  }
0x9d: {  	[timem:s7], [sflag:s22] =	dma.local [hbm:s5], s20  }
0x9e: {  	_ =	swait.ge [sflag:s22], s20  }
0x9f: {  	s4 =	ssub.s32 $0x0, s20;
	[sflag:s22] =	ssyncset.done $0x0  }
0xa0: {  	[sflag:s22] =	ssyncadd.s32 s4;
	_ =	sdelay $0x1  }
0xa1: {  	s23 =	simm.s32 $0x1B8B  }
0xa2: {  	_ =	swait.ge [sflag:s23], $0x1  }
0xa3: {  	[sflag:s23] =	ssyncset.done $0x0  }
0xa4: {  	s25 =	simm.s32 $0x1B8E;
	s24 =	sld [smem:$0x3FFE];
	[sflag:s23] =	ssyncadd.s32 $0xFFFFFFFF  }
0xa5: {  	s26 =	simm.s32 $execute0_lowered;
	[smem:$0x3FD2] =	sst s25  }
0xa6: {  	s5 =	sshll.u32 s26, $0x1;
	_ =	strace $0x80000046;
	[dreg:$0x1] =	wrdreg $0xFFFFFFFF  }
0xa7: {  	s28 =	simm.s32 $_size_execute0_lowered;
	s3 =	sadd.s32 s3, s5;
	[dreg:$0x0] =	wrdreg $0x0  }
0xa8: {  	s5 =	sshll.u32 s28, $0x1;
	[dreg:$0x2] =	wrdreg s3  }
0xa9: {  	[dreg:$0x3] =	wrdreg s5  }
0xaa: {  	[dreg:$0x4] =	wrdreg $0xC0  }
0xab: {  	_ =	task [dreg:s7], $0x5FFFF  }
0xac: {  	[dreg:$0x1] =	wrdreg $0xFFFFFFFF  }
0xad: {  	[dreg:$0x0] =	wrdreg $0x60  }
0xae: {  	[dreg:$0x2] =	wrdreg s2  }
0xaf: {  	[dreg:$0x3] =	wrdreg s24  }
0xb0: {  	[dreg:$0x4] =	wrdreg $0x9  }
0xb1: {  	_ =	task.clear_ibuf [dreg:s7], $0x5FFFF;
	_ =	strace $0x90000046  }
0xb2: {  	s29 =	simm.s32 $0x9;
	_ =	strace $0x80000048  }
0xb3: {  	_ =	swait.ge [sflag:s29], $0x1  }
0xb4: {  	[sflag:s29] =	ssyncadd.s32 $0xFFFFFFFF  }
0xb5: {  	_ =	strace $0x90000048  }
0xb6: {  	_ =	sfence  }
0xb7: {  	s30 =	sld [smem:$0x0];
	_ =	sdelay $0x2  }
0xb8: {  	s31 =	sshll.u32 s1, $0xD;
	s1 =	sshrl.u32 s1, $0x2  }
0xb9: {  	s3 =	sand.u32 $0x4000, s31;
	s1 =	sadd.s32 s1, s30  }
0xba: {  	s0 =	sor.u32 s3, s0;
	s1 =	sshll.u32 s1, $0x11  }
0xbb: {  	s0 =	sor.u32 s1, s0  }
0xbc: {  	s0 =	sadd.s32 $0x8F2B, s0  }
0xbd: {  	[sflag:s0] =	ssyncadd.remote.s32 $0x1  }
0xbe: {  	_ =	sfence.sel $0xFFFF  }
0xbf: {  	[dreg:$0x0] =	wrdreg $0xFFFFFFFF;
	(pc) =	sbr.abs _section_cstart, $3  }
0xc0: {  	[dreg:$0x1] =	wrdreg $0xFFFFFFFF  }
0xc1: {  	_ =	task.clear_ibuf [dreg:s7], $0x2FFFF;
	_ =	strace $0x9FFFFFFF  }
0xc2: {  	(tm) =	ssettm $0x7FFFFFFF  }
0xc3: {  	_ =	shalt  }
tec
execute0_lowered:
.L_overlay_start_1:
0x0: {  	(tag) =	ssettag $0x1  }
0x1: {  	s3 =	rddreg [dreg:$0x0]  }
0x2: {  	s0 =	srdreg.scid;
	s1 =	rddreg [dreg:$0x1];
	s2 =	simm.s32 $0x0  }
0x3: {  	s15 =	stileid.u32;
	s10 =	simm.s32 $0x880;
	[smem:$0x7FF] =	sst s2  }
0x4: {  	s11 =	simm.s32 $0x1080;
	_ =	strace $0x80000047;
	[dreg:$0x6] =	wrdreg s10  }
0x5: {  	s12 =	simm.s32 $0x1880;
	s13 =	simm.s32 $0x2080;
	[dreg:$0x7] =	wrdreg s11  }
0x6: {  	s16 =	simm.s32 $0x2880;
	s17 =	simm.s32 $0x3080;
	[dreg:$0x8] =	wrdreg s12  }
0x7: {  	s18 =	simm.s32 $0x3880;
	s19 =	simm.s32 $0x4080;
	[dreg:$0x9] =	wrdreg s13  }
0x8: {  	s20 =	simm.s32 $0x4880;
	s21 =	simm.s32 $0x5080;
	[dreg:$0xa] =	wrdreg s16  }
0x9: {  	s22 =	simm.s32 $0x5880;
	s23 =	simm.s32 $0x6080;
	[dreg:$0xb] =	wrdreg s17  }
0xa: {  	s24 =	simm.s32 $0x6880;
	s25 =	simm.s32 $0x7080;
	[dreg:$0xc] =	wrdreg s18  }
0xb: {  	s31 =	simm.s32 $0x3;
	s26 =	simm.s32 $0x7880;
	[dreg:$0xd] =	wrdreg s19  }
0xc: {  	p0 =	por $0x0, $0x0;
	s28 =	simm.s32 $0xE080;
	[dreg:$0xe] =	wrdreg s20  }
0xd: {  	s29 =	simm.s32 $0xE880;
	s30 =	simm.s32 $0xF080;
	[dreg:$0xf] =	wrdreg s21  }
0xe: {  	s0 =	sand.u32 $0x1, s0;
	s4 =	sshll.u32 s15, $0x6;
	[dreg:$0x10] =	wrdreg s22  }
0xf: {  	s6 =	sadd.s32 $0x300, s3;
	s7 =	sadd.s32 $0x400, s3;
	[dreg:$0x11] =	wrdreg s23  }
0x10: {  	s5 =	sshll.u32 s0, $0x5;
	s0 =	ssub.s32 $0x2, s0;
	[dreg:$0x12] =	wrdreg s24  }
0x11: {  	s10 =	sadd.s32 $0x700, s3;
	[dreg:$0x13] =	wrdreg s25;
	s12 =	simm.s32 $0x80  }
0x12: {  	[dreg:$0x14] =	wrdreg s26;
	s11 =	simm.s32 $0x8080;
	s23 =	simm.s32 $0x8880  }
0x13: {  	s24 =	simm.s32 $0x9080;
	s25 =	simm.s32 $0x9880;
	s26 =	simm.s32 $0xA080  }
0x14: {  	s22 =	simm.s32 $0xA880;
	s17 =	simm.s32 $0xB880;
	s18 =	simm.s32 $0xC080  }
0x15: {  	s19 =	simm.s32 $0xC880;
	s20 =	simm.s32 $0xD080;
	s14 =	sshrl.u32 s0, $0x1  }
0x16: {  	s21 =	simm.s32 $0xD880;
	s16 =	simm.s32 $0xF880;
	s0 =	ssub.s32 s0, s14  }
0x17: {  	s13 =	simm.s32 $0x2;
	s4 =	sor.u32 s5, s4;
	s0 =	smax.u32 s0, $0x1  }
0x18: {  	s5 =	sshll.u32 s4, $0x8;
	s4 =	sshrl.u32 s4, $0x3;
	p1 =	sne.s32 s0, $0x1  }
.Ltmp0:
0x19: {  	s5 =	sadd.s32 s5, s1;
	s1 =	sadd.s32 s1, s4;
	(pc) =	sbr.rel @!p1 .LBB2_1-.Ltmp0, $4  }
0x1a: {  	s14 =	simm.s32 $0x1;
	[dreg:$0x3] =	wrdreg s1;
	s8 =	sadd.s32 $0x200, s5  }
0x1b: {  	v1 =	vlaneseq.u32;
	s4 =	sadd.s32 $0x100, s3;
	s9 =	sadd.s32 $0x1200, s5;
	[dreg:$0x4] =	wrdreg s8  }
0x1c: {  	vm0 =	vmmov $0xffff;
	v0 =	vshrl.u32 v1, $0x3;
	s5 =	sadd.s32 $0x200, s3;
	s1 =	sadd.s32 $0xFFFFFFFF, s0;
	[dreg:$0x5] =	wrdreg s9  }
0x1d: {  	v2 =	vand.u32 $0x7, v1;
	v1 =	vor.u32 $0x8, v1;
	v0 =	vmul.u32 $0x8, v0;
	s8 =	sadd.s32 $0x500, s3;
	s9 =	sadd.s32 $0x600, s3;
	s0 =	rddreg [dreg:$0x3]  }
0x1e: {  	[tilespmem:s2], [sflag:$0x3] =	stream.linear.gather [hbm4b:s0+s2], $0x20, $0x38;
	[tilespmem:$0x10080] =	vst v63  }
0x1f: {  	_ =	swait.ge [sflag:s31], $0x20  }
0x20: {  	[sflag:s31] =	ssyncset.done $0x0  }
0x21: {  	[sflag:s31] =	ssyncadd.s32 $0xFFFFFFE0  }
0x22: {  	v3 =	vld [tilespmem:$0x0];
	_ =	sdelay $0x4  }
0x23: {  	v4 =	vshll.u32 v3, $0x4  }
0x24: {  	v3 =	vand.u32 $0x7, v3;
	v4 =	vand.u32 $0xFFFFFF80, v4  }
0x25: {  	v3 =	vor.u32 v3, v4  }
0x26: {  	v4 =	vperm.xlane v3, v2;
	_ =	sdelay $0x1  }
0x27: {  	v4 =	vadd.s32 v0, v4;
	_ =	sdelay $0x4  }
0x28: {  	v5 =	vld [tilespmem:$0x10];
	[tilespmem:s12], [sflag:$0x1] =	stream.indirect_vreg.gather [hbm4b:s3+s2], $0x80, v4, vm0, $0xb8  }
0x29: {  	s0 =	rddreg [dreg:$0x6]  }
0x2a: {  	[tilespmem:s0], [sflag:$0x1] =	stream.indirect_vreg.gather [hbm4b:s4+s2], $0x80, v4, vm0, $0xb8;
	[tilespmem:$0x10080] =	vst v63  }
0x2b: {  	s15 =	smov.u32 s1;
	s1 =	rddreg [dreg:$0x7]  }
0x2c: {  	[tilespmem:s1], [sflag:$0x1] =	stream.indirect_vreg.gather [hbm4b:s5+s2], $0x80, v4, vm0, $0xb8;
	[tilespmem:$0x10080] =	vst v63  }
0x2d: {  	s0 =	rddreg [dreg:$0x8]  }
0x2e: {  	[tilespmem:s0], [sflag:$0x1] =	stream.indirect_vreg.gather [hbm4b:s6+s2], $0x80, v4, vm0, $0xb8;
	[tilespmem:$0x10080] =	vst v63  }
0x2f: {  	s1 =	rddreg [dreg:$0x9]  }
0x30: {  	[tilespmem:s1], [sflag:$0x1] =	stream.indirect_vreg.gather [hbm4b:s7+s2], $0x80, v4, vm0, $0xb8;
	[tilespmem:$0x10080] =	vst v63  }
0x31: {  	v3 =	vperm.xlane v3, v1;
	s0 =	rddreg [dreg:$0xa]  }
0x32: {  	[tilespmem:s0], [sflag:$0x1] =	stream.indirect_vreg.gather [hbm4b:s8+s2], $0x80, v4, vm0, $0xb8;
	[tilespmem:$0x10080] =	vst v63  }
0x33: {  	v3 =	vadd.s32 v0, v3;
	s1 =	rddreg [dreg:$0xb]  }
0x34: {  	[tilespmem:s1], [sflag:$0x1] =	stream.indirect_vreg.gather [hbm4b:s9+s2], $0x80, v4, vm0, $0xb8;
	[tilespmem:$0x10080] =	vst v63  }
0x35: {  	s0 =	rddreg [dreg:$0xc]  }
0x36: {  	[tilespmem:s0], [sflag:$0x1] =	stream.indirect_vreg.gather [hbm4b:s10+s2], $0x80, v4, vm0, $0xb8;
	[tilespmem:$0x10080] =	vst v63  }
0x37: {  	s1 =	rddreg [dreg:$0xd]  }
0x38: {  	[tilespmem:s1], [sflag:$0x1] =	stream.indirect_vreg.gather [hbm4b:s3+s2], $0x80, v3, vm0, $0xb8;
	[tilespmem:$0x10080] =	vst v63  }
0x39: {  	s0 =	rddreg [dreg:$0xe]  }
0x3a: {  	[tilespmem:s0], [sflag:$0x1] =	stream.indirect_vreg.gather [hbm4b:s4+s2], $0x80, v3, vm0, $0xb8;
	[tilespmem:$0x10080] =	vst v63  }
0x3b: {  	s1 =	rddreg [dreg:$0xf]  }
0x3c: {  	[tilespmem:s1], [sflag:$0x1] =	stream.indirect_vreg.gather [hbm4b:s5+s2], $0x80, v3, vm0, $0xb8;
	[tilespmem:$0x10080] =	vst v63  }
0x3d: {  	s0 =	rddreg [dreg:$0x10]  }
0x3e: {  	v63 =	vshll.u32 v5, $0x4;
	[tilespmem:s0], [sflag:$0x1] =	stream.indirect_vreg.gather [hbm4b:s6+s2], $0x80, v3, vm0, $0xb8;
	[tilespmem:$0x10080] =	vst v63  }
0x3f: {  	v5 =	vand.u32 $0x7, v5;
	v4 =	vand.u32 $0xFFFFFF80, v63;
	s1 =	rddreg [dreg:$0x11]  }
0x40: {  	v4 =	vor.u32 v5, v4;
	[tilespmem:s1], [sflag:$0x1] =	stream.indirect_vreg.gather [hbm4b:s7+s2], $0x80, v3, vm0, $0xb8;
	[tilespmem:$0x10080] =	vst v63  }
0x41: {  	v5 =	vperm.xlane v4, v2;
	s0 =	rddreg [dreg:$0x12]  }
0x42: {  	[tilespmem:s0], [sflag:$0x1] =	stream.indirect_vreg.gather [hbm4b:s8+s2], $0x80, v3, vm0, $0xb8;
	[tilespmem:$0x10080] =	vst v63  }
0x43: {  	v5 =	vadd.s32 v0, v5;
	s1 =	rddreg [dreg:$0x13]  }
0x44: {  	[tilespmem:s1], [sflag:$0x1] =	stream.indirect_vreg.gather [hbm4b:s9+s2], $0x80, v3, vm0, $0xb8;
	[tilespmem:$0x10080] =	vst v63  }
0x45: {  	s0 =	rddreg [dreg:$0x14]  }
0x46: {  	[tilespmem:s0], [sflag:$0x1] =	stream.indirect_vreg.gather [hbm4b:s10+s2], $0x80, v3, vm0, $0xb8;
	[tilespmem:$0x10080] =	vst v63  }
0x47: {  	_ = 	snop  }
0x48: {  	[tilespmem:s11], [sflag:$0x2] =	stream.indirect_vreg.gather [hbm4b:s3+s2], $0x80, v5, vm0, $0xb8;
	[tilespmem:$0x10080] =	vst v63  }
0x49: {  	_ = 	snop  }
0x4a: {  	[tilespmem:s23], [sflag:$0x2] =	stream.indirect_vreg.gather [hbm4b:s4+s2], $0x80, v5, vm0, $0xb8;
	[tilespmem:$0x10080] =	vst v63  }
0x4b: {  	_ = 	snop  }
0x4c: {  	[tilespmem:s24], [sflag:$0x2] =	stream.indirect_vreg.gather [hbm4b:s5+s2], $0x80, v5, vm0, $0xb8;
	[tilespmem:$0x10080] =	vst v63  }
0x4d: {  	_ = 	snop  }
0x4e: {  	[tilespmem:s25], [sflag:$0x2] =	stream.indirect_vreg.gather [hbm4b:s6+s2], $0x80, v5, vm0, $0xb8;
	[tilespmem:$0x10080] =	vst v63  }
0x4f: {  	_ = 	snop  }
0x50: {  	[tilespmem:s26], [sflag:$0x2] =	stream.indirect_vreg.gather [hbm4b:s7+s2], $0x80, v5, vm0, $0xb8;
	[tilespmem:$0x10080] =	vst v63  }
0x51: {  	v3 =	vperm.xlane v4, v1  }
0x52: {  	[tilespmem:s22], [sflag:$0x2] =	stream.indirect_vreg.gather [hbm4b:s8+s2], $0x80, v5, vm0, $0xb8;
	[tilespmem:$0x10080] =	vst v63  }
0x53: {  	s1 =	simm.s32 $0xB080;
	v3 =	vadd.s32 v0, v3  }
0x54: {  	[tilespmem:s1], [sflag:$0x2] =	stream.indirect_vreg.gather [hbm4b:s9+s2], $0x80, v5, vm0, $0xb8;
	[tilespmem:$0x10080] =	vst v63  }
0x55: {  	_ = 	snop  }
0x56: {  	[tilespmem:s17], [sflag:$0x2] =	stream.indirect_vreg.gather [hbm4b:s10+s2], $0x80, v5, vm0, $0xb8;
	[tilespmem:$0x10080] =	vst v63  }
0x57: {  	_ = 	snop  }
0x58: {  	[tilespmem:s18], [sflag:$0x2] =	stream.indirect_vreg.gather [hbm4b:s3+s2], $0x80, v3, vm0, $0xb8;
	[tilespmem:$0x10080] =	vst v63  }
0x59: {  	_ = 	snop  }
0x5a: {  	[tilespmem:s19], [sflag:$0x2] =	stream.indirect_vreg.gather [hbm4b:s4+s2], $0x80, v3, vm0, $0xb8;
	[tilespmem:$0x10080] =	vst v63  }
0x5b: {  	_ = 	snop  }
0x5c: {  	[tilespmem:s20], [sflag:$0x2] =	stream.indirect_vreg.gather [hbm4b:s5+s2], $0x80, v3, vm0, $0xb8;
	[tilespmem:$0x10080] =	vst v63  }
0x5d: {  	_ = 	snop  }
0x5e: {  	[tilespmem:s21], [sflag:$0x2] =	stream.indirect_vreg.gather [hbm4b:s6+s2], $0x80, v3, vm0, $0xb8;
	[tilespmem:$0x10080] =	vst v63  }
0x5f: {  	_ = 	snop  }
0x60: {  	[tilespmem:s28], [sflag:$0x2] =	stream.indirect_vreg.gather [hbm4b:s7+s2], $0x80, v3, vm0, $0xb8;
	[tilespmem:$0x10080] =	vst v63  }
0x61: {  	_ = 	snop  }
0x62: {  	[tilespmem:s29], [sflag:$0x2] =	stream.indirect_vreg.gather [hbm4b:s8+s2], $0x80, v3, vm0, $0xb8;
	[tilespmem:$0x10080] =	vst v63  }
0x63: {  	_ = 	snop  }
0x64: {  	[tilespmem:s30], [sflag:$0x2] =	stream.indirect_vreg.gather [hbm4b:s9+s2], $0x80, v3, vm0, $0xb8;
	[tilespmem:$0x10080] =	vst v63  }
0x65: {  	_ = 	snop  }
0x66: {  	[tilespmem:s16], [sflag:$0x2] =	stream.indirect_vreg.gather [hbm4b:s10+s2], $0x80, v3, vm0, $0xb8;
	[tilespmem:$0x10080] =	vst v63  }
0x67: {  	_ =	swait.ge [sflag:s14], $0x8000  }
0x68: {  	[sflag:s14] =	ssyncset.done $0x0  }
0x69: {  	s1 =	rddreg [dreg:$0x4];
	[sflag:s14] =	ssyncadd.s32 $0xFFFF8000  }
0x6a: {  	[hbm4b:s1+s2] =	stream.linear.scatter [tilespmem:s12], [sflag:$0x1], $0x8000, $0x38;
	[tilespmem:$0x10080] =	vst v63  }
0x6b: {  	_ =	swait.ge [sflag:s13], $0x8000  }
0x6c: {  	[sflag:s13] =	ssyncset.done $0x0  }
0x6d: {  	p1 =	sne.s32 s15, $0x1;
	s1 =	rddreg [dreg:$0x5];
	[sflag:s13] =	ssyncadd.s32 $0xFFFF8000  }
0x6e: {  	[hbm4b:s1+s2] =	stream.linear.scatter [tilespmem:s11], [sflag:$0x2], $0x8000, $0x38;
	[tilespmem:$0x10080] =	vst v63  }
.Ltmp1:
0x6f: {  	_ =	swait.ge [sflag:s14], $0x8000;
	(pc) =	sbr.rel @!p1 .LBB2_3-.Ltmp1, $4  }
0x70: {  	[sflag:s14] =	ssyncset.done $0x0  }
0x71: {  	[sflag:s14] =	ssyncadd.s32 $0xFFFF8000  }
0x72: {  	p0 =	por $0x1, $0x1;
	_ =	swait.ge [sflag:s13], $0x8000  }
0x73: {  	s1 =	sadd.s32 $0xFFFFFFFF, s15;
	s0 =	rddreg [dreg:$0x3];
	[sflag:s13] =	ssyncset.done $0x0  }
.LBB2_4:
0x74: {  	[sflag:s13] =	ssyncadd.s32 $0xFFFF8000  }
0x75: {  	[tilespmem:s2], [sflag:$0x3] =	stream.linear.gather [hbm4b:s0+s2], $0x20, $0x38;
	[tilespmem:$0x10080] =	vst v63  }
0x76: {  	_ =	swait.ge [sflag:s31], $0x20  }
0x77: {  	[sflag:s31] =	ssyncset.done $0x0  }
0x78: {  	[sflag:s31] =	ssyncadd.s32 $0xFFFFFFE0  }
0x79: {  	v3 =	vld [tilespmem:$0x0];
	_ =	sdelay $0x4  }
0x7a: {  	v4 =	vshll.u32 v3, $0x4  }
0x7b: {  	v3 =	vand.u32 $0x7, v3;
	v4 =	vand.u32 $0xFFFFFF80, v4  }
0x7c: {  	v3 =	vor.u32 v3, v4  }
0x7d: {  	v4 =	vperm.xlane v3, v2;
	_ =	sdelay $0x1  }
0x7e: {  	v4 =	vadd.s32 v0, v4;
	_ =	sdelay $0x4  }
0x7f: {  	v5 =	vld [tilespmem:$0x10];
	[tilespmem:s12], [sflag:$0x1] =	stream.indirect_vreg.gather [hbm4b:s3+s2], $0x80, v4, vm0, $0xb8  }
0x80: {  	s0 =	rddreg [dreg:$0x6]  }
0x81: {  	[tilespmem:s0], [sflag:$0x1] =	stream.indirect_vreg.gather [hbm4b:s4+s2], $0x80, v4, vm0, $0xb8;
	[tilespmem:$0x10080] =	vst v63  }
0x82: {  	s15 =	rddreg [dreg:$0x7]  }
0x83: {  	[tilespmem:s15], [sflag:$0x1] =	stream.indirect_vreg.gather [hbm4b:s5+s2], $0x80, v4, vm0, $0xb8;
	[tilespmem:$0x10080] =	vst v63  }
0x84: {  	s0 =	rddreg [dreg:$0x8]  }
0x85: {  	[tilespmem:s0], [sflag:$0x1] =	stream.indirect_vreg.gather [hbm4b:s6+s2], $0x80, v4, vm0, $0xb8;
	[tilespmem:$0x10080] =	vst v63  }
0x86: {  	s15 =	rddreg [dreg:$0x9]  }
0x87: {  	[tilespmem:s15], [sflag:$0x1] =	stream.indirect_vreg.gather [hbm4b:s7+s2], $0x80, v4, vm0, $0xb8;
	[tilespmem:$0x10080] =	vst v63  }
0x88: {  	v3 =	vperm.xlane v3, v1;
	s0 =	rddreg [dreg:$0xa]  }
0x89: {  	[tilespmem:s0], [sflag:$0x1] =	stream.indirect_vreg.gather [hbm4b:s8+s2], $0x80, v4, vm0, $0xb8;
	[tilespmem:$0x10080] =	vst v63  }
0x8a: {  	v3 =	vadd.s32 v0, v3;
	s15 =	rddreg [dreg:$0xb]  }
0x8b: {  	[tilespmem:s15], [sflag:$0x1] =	stream.indirect_vreg.gather [hbm4b:s9+s2], $0x80, v4, vm0, $0xb8;
	[tilespmem:$0x10080] =	vst v63  }
0x8c: {  	s0 =	rddreg [dreg:$0xc]  }
0x8d: {  	[tilespmem:s0], [sflag:$0x1] =	stream.indirect_vreg.gather [hbm4b:s10+s2], $0x80, v4, vm0, $0xb8;
	[tilespmem:$0x10080] =	vst v63  }
0x8e: {  	s15 =	rddreg [dreg:$0xd]  }
0x8f: {  	[tilespmem:s15], [sflag:$0x1] =	stream.indirect_vreg.gather [hbm4b:s3+s2], $0x80, v3, vm0, $0xb8;
	[tilespmem:$0x10080] =	vst v63  }
0x90: {  	s0 =	rddreg [dreg:$0xe]  }
0x91: {  	[tilespmem:s0], [sflag:$0x1] =	stream.indirect_vreg.gather [hbm4b:s4+s2], $0x80, v3, vm0, $0xb8;
	[tilespmem:$0x10080] =	vst v63  }
0x92: {  	s15 =	rddreg [dreg:$0xf]  }
0x93: {  	[tilespmem:s15], [sflag:$0x1] =	stream.indirect_vreg.gather [hbm4b:s5+s2], $0x80, v3, vm0, $0xb8;
	[tilespmem:$0x10080] =	vst v63  }
0x94: {  	s0 =	rddreg [dreg:$0x10]  }
0x95: {  	v6 =	vshll.u32 v5, $0x4;
	[tilespmem:s0], [sflag:$0x1] =	stream.indirect_vreg.gather [hbm4b:s6+s2], $0x80, v3, vm0, $0xb8;
	[tilespmem:$0x10080] =	vst v63  }
0x96: {  	v5 =	vand.u32 $0x7, v5;
	v6 =	vand.u32 $0xFFFFFF80, v6;
	s15 =	rddreg [dreg:$0x11]  }
0x97: {  	v5 =	vor.u32 v5, v6;
	[tilespmem:s15], [sflag:$0x1] =	stream.indirect_vreg.gather [hbm4b:s7+s2], $0x80, v3, vm0, $0xb8;
	[tilespmem:$0x10080] =	vst v63  }
0x98: {  	v63 =	vperm.xlane v5, v2;
	s0 =	rddreg [dreg:$0x12]  }
0x99: {  	[tilespmem:s0], [sflag:$0x1] =	stream.indirect_vreg.gather [hbm4b:s8+s2], $0x80, v3, vm0, $0xb8;
	[tilespmem:$0x10080] =	vst v63  }
0x9a: {  	v4 =	vadd.s32 v0, v63;
	s15 =	rddreg [dreg:$0x13]  }
0x9b: {  	[tilespmem:s15], [sflag:$0x1] =	stream.indirect_vreg.gather [hbm4b:s9+s2], $0x80, v3, vm0, $0xb8;
	[tilespmem:$0x10080] =	vst v63  }
0x9c: {  	s0 =	rddreg [dreg:$0x14]  }
0x9d: {  	[tilespmem:s0], [sflag:$0x1] =	stream.indirect_vreg.gather [hbm4b:s10+s2], $0x80, v3, vm0, $0xb8;
	[tilespmem:$0x10080] =	vst v63  }
0x9e: {  	_ = 	snop  }
0x9f: {  	[tilespmem:s11], [sflag:$0x2] =	stream.indirect_vreg.gather [hbm4b:s3+s2], $0x80, v4, vm0, $0xb8;
	[tilespmem:$0x10080] =	vst v63  }
0xa0: {  	_ = 	snop  }
0xa1: {  	[tilespmem:s23], [sflag:$0x2] =	stream.indirect_vreg.gather [hbm4b:s4+s2], $0x80, v4, vm0, $0xb8;
	[tilespmem:$0x10080] =	vst v63  }
0xa2: {  	_ = 	snop  }
0xa3: {  	[tilespmem:s24], [sflag:$0x2] =	stream.indirect_vreg.gather [hbm4b:s5+s2], $0x80, v4, vm0, $0xb8;
	[tilespmem:$0x10080] =	vst v63  }
0xa4: {  	_ = 	snop  }
0xa5: {  	[tilespmem:s25], [sflag:$0x2] =	stream.indirect_vreg.gather [hbm4b:s6+s2], $0x80, v4, vm0, $0xb8;
	[tilespmem:$0x10080] =	vst v63  }
0xa6: {  	_ = 	snop  }
0xa7: {  	[tilespmem:s26], [sflag:$0x2] =	stream.indirect_vreg.gather [hbm4b:s7+s2], $0x80, v4, vm0, $0xb8;
	[tilespmem:$0x10080] =	vst v63  }
0xa8: {  	v6 =	vperm.xlane v5, v1  }
0xa9: {  	[tilespmem:s22], [sflag:$0x2] =	stream.indirect_vreg.gather [hbm4b:s8+s2], $0x80, v4, vm0, $0xb8;
	[tilespmem:$0x10080] =	vst v63  }
0xaa: {  	s15 =	simm.s32 $0xB080;
	v3 =	vadd.s32 v0, v6  }
0xab: {  	[tilespmem:s15], [sflag:$0x2] =	stream.indirect_vreg.gather [hbm4b:s9+s2], $0x80, v4, vm0, $0xb8;
	[tilespmem:$0x10080] =	vst v63  }
0xac: {  	_ = 	snop  }
0xad: {  	[tilespmem:s17], [sflag:$0x2] =	stream.indirect_vreg.gather [hbm4b:s10+s2], $0x80, v4, vm0, $0xb8;
	[tilespmem:$0x10080] =	vst v63  }
0xae: {  	_ = 	snop  }
0xaf: {  	[tilespmem:s18], [sflag:$0x2] =	stream.indirect_vreg.gather [hbm4b:s3+s2], $0x80, v3, vm0, $0xb8;
	[tilespmem:$0x10080] =	vst v63  }
0xb0: {  	_ = 	snop  }
0xb1: {  	[tilespmem:s19], [sflag:$0x2] =	stream.indirect_vreg.gather [hbm4b:s4+s2], $0x80, v3, vm0, $0xb8;
	[tilespmem:$0x10080] =	vst v63  }
0xb2: {  	_ = 	snop  }
0xb3: {  	[tilespmem:s20], [sflag:$0x2] =	stream.indirect_vreg.gather [hbm4b:s5+s2], $0x80, v3, vm0, $0xb8;
	[tilespmem:$0x10080] =	vst v63  }
0xb4: {  	_ = 	snop  }
0xb5: {  	[tilespmem:s21], [sflag:$0x2] =	stream.indirect_vreg.gather [hbm4b:s6+s2], $0x80, v3, vm0, $0xb8;
	[tilespmem:$0x10080] =	vst v63  }
0xb6: {  	_ = 	snop  }
0xb7: {  	[tilespmem:s28], [sflag:$0x2] =	stream.indirect_vreg.gather [hbm4b:s7+s2], $0x80, v3, vm0, $0xb8;
	[tilespmem:$0x10080] =	vst v63  }
0xb8: {  	_ = 	snop  }
0xb9: {  	[tilespmem:s29], [sflag:$0x2] =	stream.indirect_vreg.gather [hbm4b:s8+s2], $0x80, v3, vm0, $0xb8;
	[tilespmem:$0x10080] =	vst v63  }
0xba: {  	_ = 	snop  }
0xbb: {  	[tilespmem:s30], [sflag:$0x2] =	stream.indirect_vreg.gather [hbm4b:s9+s2], $0x80, v3, vm0, $0xb8;
	[tilespmem:$0x10080] =	vst v63  }
0xbc: {  	_ = 	snop  }
0xbd: {  	[tilespmem:s16], [sflag:$0x2] =	stream.indirect_vreg.gather [hbm4b:s10+s2], $0x80, v3, vm0, $0xb8;
	[tilespmem:$0x10080] =	vst v63  }
0xbe: {  	_ =	swait.ge [sflag:s14], $0x8000  }
0xbf: {  	[sflag:s14] =	ssyncset.done $0x0  }
0xc0: {  	s15 =	rddreg [dreg:$0x4];
	[sflag:s14] =	ssyncadd.s32 $0xFFFF8000  }
0xc1: {  	[hbm4b:s15+s2] =	stream.linear.scatter [tilespmem:s12], [sflag:$0x1], $0x8000, $0x38;
	[tilespmem:$0x10080] =	vst v63  }
0xc2: {  	_ =	swait.ge [sflag:s13], $0x8000  }
0xc3: {  	[sflag:s13] =	ssyncset.done $0x0  }
0xc4: {  	p1 =	sne.s32 s1, $0x1;
	s15 =	rddreg [dreg:$0x5];
	[sflag:s13] =	ssyncadd.s32 $0xFFFF8000  }
0xc5: {  	[hbm4b:s15+s2] =	stream.linear.scatter [tilespmem:s11], [sflag:$0x2], $0x8000, $0x38;
	[tilespmem:$0x10080] =	vst v63  }
.Ltmp2:
0xc6: {  	_ =	swait.ge [sflag:s14], $0x8000;
	(pc) =	sbr.rel @p1 .LBB2_4-.Ltmp2, $4  }
0xc7: {  	[sflag:s14] =	ssyncset.done $0x0  }
0xc8: {  	[sflag:s14] =	ssyncadd.s32 $0xFFFF8000  }
0xc9: {  	_ =	swait.ge [sflag:s13], $0x8000  }
0xca: {  	s1 =	sadd.s32 $0xFFFFFFFF, s1;
	s0 =	rddreg [dreg:$0x3];
	[sflag:s13] =	ssyncset.done $0x0  }
0xcb: {  	s30 =	simm.s32 $0xF080;
	s29 =	simm.s32 $0xE880;
	s28 =	simm.s32 $0xE080  }
0xcc: {  	s26 =	simm.s32 $0xA080;
	s25 =	simm.s32 $0x9880;
	s24 =	simm.s32 $0x9080  }
0xcd: {  	s23 =	simm.s32 $0x8880;
	s22 =	simm.s32 $0xA880;
	s21 =	simm.s32 $0xD880  }
0xce: {  	s20 =	simm.s32 $0xD080;
	s19 =	simm.s32 $0xC880;
	s18 =	simm.s32 $0xC080  }
0xcf: {  	s17 =	simm.s32 $0xB880;
	s16 =	simm.s32 $0xB080;
	s15 =	stileid.u32  }
.LBB2_6:
0xd0: {  	[sflag:s13] =	ssyncadd.s32 @p0 $0xFFFF8000  }
0xd1: {  	[tilespmem:s2], [sflag:$0x3] =	stream.linear.gather [hbm4b:s0+s2], $0x20, $0x38;
	[tilespmem:$0x10080] =	vst v63  }
0xd2: {  	_ =	swait.ge [sflag:s31], $0x20  }
0xd3: {  	[sflag:s31] =	ssyncset.done $0x0  }
0xd4: {  	[sflag:s31] =	ssyncadd.s32 $0xFFFFFFE0  }
0xd5: {  	v3 =	vld [tilespmem:$0x0];
	_ =	sdelay $0x4  }
0xd6: {  	v4 =	vshll.u32 v3, $0x4  }
0xd7: {  	v3 =	vand.u32 $0x7, v3;
	v4 =	vand.u32 $0xFFFFFF80, v4  }
0xd8: {  	v3 =	vor.u32 v3, v4  }
0xd9: {  	v4 =	vperm.xlane v3, v2;
	_ =	sdelay $0x1  }
0xda: {  	v4 =	vadd.s32 v0, v4;
	_ =	sdelay $0x4  }
0xdb: {  	v5 =	vld [tilespmem:$0x10];
	[tilespmem:s12], [sflag:$0x1] =	stream.indirect_vreg.gather [hbm4b:s3+s2], $0x80, v4, vm0, $0xb8  }
0xdc: {  	s31 =	rddreg [dreg:$0x6]  }
0xdd: {  	[tilespmem:s31], [sflag:$0x1] =	stream.indirect_vreg.gather [hbm4b:s4+s2], $0x80, v4, vm0, $0xb8;
	[tilespmem:$0x10080] =	vst v63  }
0xde: {  	s1 =	rddreg [dreg:$0x7]  }
0xdf: {  	[tilespmem:s1], [sflag:$0x1] =	stream.indirect_vreg.gather [hbm4b:s5+s2], $0x80, v4, vm0, $0xb8;
	[tilespmem:$0x10080] =	vst v63  }
0xe0: {  	s31 =	rddreg [dreg:$0x8]  }
0xe1: {  	[tilespmem:s31], [sflag:$0x1] =	stream.indirect_vreg.gather [hbm4b:s6+s2], $0x80, v4, vm0, $0xb8;
	[tilespmem:$0x10080] =	vst v63  }
0xe2: {  	s1 =	rddreg [dreg:$0x9]  }
0xe3: {  	[tilespmem:s1], [sflag:$0x1] =	stream.indirect_vreg.gather [hbm4b:s7+s2], $0x80, v4, vm0, $0xb8;
	[tilespmem:$0x10080] =	vst v63  }
0xe4: {  	v3 =	vperm.xlane v3, v1;
	s31 =	rddreg [dreg:$0xa]  }
0xe5: {  	[tilespmem:s31], [sflag:$0x1] =	stream.indirect_vreg.gather [hbm4b:s8+s2], $0x80, v4, vm0, $0xb8;
	[tilespmem:$0x10080] =	vst v63  }
0xe6: {  	v3 =	vadd.s32 v0, v3;
	s1 =	rddreg [dreg:$0xb]  }
0xe7: {  	[tilespmem:s1], [sflag:$0x1] =	stream.indirect_vreg.gather [hbm4b:s9+s2], $0x80, v4, vm0, $0xb8;
	[tilespmem:$0x10080] =	vst v63  }
0xe8: {  	s31 =	rddreg [dreg:$0xc]  }
0xe9: {  	[tilespmem:s31], [sflag:$0x1] =	stream.indirect_vreg.gather [hbm4b:s10+s2], $0x80, v4, vm0, $0xb8;
	[tilespmem:$0x10080] =	vst v63  }
0xea: {  	s1 =	rddreg [dreg:$0xd]  }
0xeb: {  	[tilespmem:s1], [sflag:$0x1] =	stream.indirect_vreg.gather [hbm4b:s3+s2], $0x80, v3, vm0, $0xb8;
	[tilespmem:$0x10080] =	vst v63  }
0xec: {  	s31 =	rddreg [dreg:$0xe]  }
0xed: {  	[tilespmem:s31], [sflag:$0x1] =	stream.indirect_vreg.gather [hbm4b:s4+s2], $0x80, v3, vm0, $0xb8;
	[tilespmem:$0x10080] =	vst v63  }
0xee: {  	s1 =	rddreg [dreg:$0xf]  }
0xef: {  	[tilespmem:s1], [sflag:$0x1] =	stream.indirect_vreg.gather [hbm4b:s5+s2], $0x80, v3, vm0, $0xb8;
	[tilespmem:$0x10080] =	vst v63  }
0xf0: {  	s31 =	rddreg [dreg:$0x10]  }
0xf1: {  	v60 =	vshll.u32 v5, $0x4;
	[tilespmem:s31], [sflag:$0x1] =	stream.indirect_vreg.gather [hbm4b:s6+s2], $0x80, v3, vm0, $0xb8;
	[tilespmem:$0x10080] =	vst v63  }
0xf2: {  	v5 =	vand.u32 $0x7, v5;
	v4 =	vand.u32 $0xFFFFFF80, v60;
	s1 =	rddreg [dreg:$0x11]  }
0xf3: {  	v4 =	vor.u32 v5, v4;
	[tilespmem:s1], [sflag:$0x1] =	stream.indirect_vreg.gather [hbm4b:s7+s2], $0x80, v3, vm0, $0xb8;
	[tilespmem:$0x10080] =	vst v63  }
0xf4: {  	v61 =	vperm.xlane v4, v2;
	s31 =	rddreg [dreg:$0x12]  }
0xf5: {  	[tilespmem:s31], [sflag:$0x1] =	stream.indirect_vreg.gather [hbm4b:s8+s2], $0x80, v3, vm0, $0xb8;
	[tilespmem:$0x10080] =	vst v63  }
0xf6: {  	v2 =	vadd.s32 v0, v61;
	s1 =	rddreg [dreg:$0x13]  }
0xf7: {  	[tilespmem:s1], [sflag:$0x1] =	stream.indirect_vreg.gather [hbm4b:s9+s2], $0x80, v3, vm0, $0xb8;
	[tilespmem:$0x10080] =	vst v63  }
0xf8: {  	s31 =	rddreg [dreg:$0x14]  }
0xf9: {  	[tilespmem:s31], [sflag:$0x1] =	stream.indirect_vreg.gather [hbm4b:s10+s2], $0x80, v3, vm0, $0xb8;
	[tilespmem:$0x10080] =	vst v63  }
0xfa: {  	_ = 	snop  }
0xfb: {  	[tilespmem:s11], [sflag:$0x2] =	stream.indirect_vreg.gather [hbm4b:s3+s2], $0x80, v2, vm0, $0xb8;
	[tilespmem:$0x10080] =	vst v63  }
0xfc: {  	_ = 	snop  }
0xfd: {  	[tilespmem:s23], [sflag:$0x2] =	stream.indirect_vreg.gather [hbm4b:s4+s2], $0x80, v2, vm0, $0xb8;
	[tilespmem:$0x10080] =	vst v63  }
0xfe: {  	_ = 	snop  }
0xff: {  	[tilespmem:s24], [sflag:$0x2] =	stream.indirect_vreg.gather [hbm4b:s5+s2], $0x80, v2, vm0, $0xb8;
	[tilespmem:$0x10080] =	vst v63  }
0x100: {  	_ = 	snop  }
0x101: {  	[tilespmem:s25], [sflag:$0x2] =	stream.indirect_vreg.gather [hbm4b:s6+s2], $0x80, v2, vm0, $0xb8;
	[tilespmem:$0x10080] =	vst v63  }
0x102: {  	_ = 	snop  }
0x103: {  	[tilespmem:s26], [sflag:$0x2] =	stream.indirect_vreg.gather [hbm4b:s7+s2], $0x80, v2, vm0, $0xb8;
	[tilespmem:$0x10080] =	vst v63  }
0x104: {  	v62 =	vperm.xlane v4, v1  }
0x105: {  	[tilespmem:s22], [sflag:$0x2] =	stream.indirect_vreg.gather [hbm4b:s8+s2], $0x80, v2, vm0, $0xb8;
	[tilespmem:$0x10080] =	vst v63  }
0x106: {  	v63 =	vadd.s32 v0, v62  }
0x107: {  	[tilespmem:s16], [sflag:$0x2] =	stream.indirect_vreg.gather [hbm4b:s9+s2], $0x80, v2, vm0, $0xb8;
	[tilespmem:$0x10080] =	vst v63  }
0x108: {  	_ = 	snop  }
0x109: {  	[tilespmem:s17], [sflag:$0x2] =	stream.indirect_vreg.gather [hbm4b:s10+s2], $0x80, v2, vm0, $0xb8;
	[tilespmem:$0x10080] =	vst v63  }
0x10a: {  	_ = 	snop  }
0x10b: {  	[tilespmem:s18], [sflag:$0x2] =	stream.indirect_vreg.gather [hbm4b:s3+s2], $0x80, v63, vm0, $0xb8;
	[tilespmem:$0x10080] =	vst v63  }
0x10c: {  	_ = 	snop  }
0x10d: {  	[tilespmem:s19], [sflag:$0x2] =	stream.indirect_vreg.gather [hbm4b:s4+s2], $0x80, v63, vm0, $0xb8;
	[tilespmem:$0x10080] =	vst v63  }
0x10e: {  	_ = 	snop  }
0x10f: {  	[tilespmem:s20], [sflag:$0x2] =	stream.indirect_vreg.gather [hbm4b:s5+s2], $0x80, v63, vm0, $0xb8;
	[tilespmem:$0x10080] =	vst v63  }
0x110: {  	_ = 	snop  }
0x111: {  	[tilespmem:s21], [sflag:$0x2] =	stream.indirect_vreg.gather [hbm4b:s6+s2], $0x80, v63, vm0, $0xb8;
	[tilespmem:$0x10080] =	vst v63  }
0x112: {  	_ = 	snop  }
0x113: {  	[tilespmem:s28], [sflag:$0x2] =	stream.indirect_vreg.gather [hbm4b:s7+s2], $0x80, v63, vm0, $0xb8;
	[tilespmem:$0x10080] =	vst v63  }
0x114: {  	_ = 	snop  }
0x115: {  	[tilespmem:s29], [sflag:$0x2] =	stream.indirect_vreg.gather [hbm4b:s8+s2], $0x80, v63, vm0, $0xb8;
	[tilespmem:$0x10080] =	vst v63  }
0x116: {  	_ = 	snop  }
0x117: {  	[tilespmem:s30], [sflag:$0x2] =	stream.indirect_vreg.gather [hbm4b:s9+s2], $0x80, v63, vm0, $0xb8;
	[tilespmem:$0x10080] =	vst v63  }
0x118: {  	s29 =	simm.s32 $0xF880  }
0x119: {  	[tilespmem:s29], [sflag:$0x2] =	stream.indirect_vreg.gather [hbm4b:s10+s2], $0x80, v63, vm0, $0xb8;
	[tilespmem:$0x10080] =	vst v63  }
0x11a: {  	_ =	swait.ge [sflag:s14], $0x8000  }
0x11b: {  	[sflag:s14] =	ssyncset.done $0x0  }
0x11c: {  	s30 =	rddreg [dreg:$0x4];
	[sflag:s14] =	ssyncadd.s32 $0xFFFF8000  }
0x11d: {  	[hbm4b:s30+s2] =	stream.linear.scatter [tilespmem:s12], [sflag:$0x1], $0x8000, $0x38;
	[tilespmem:$0x10080] =	vst v63  }
0x11e: {  	_ =	swait.ge [sflag:s13], $0x8000  }
0x11f: {  	[sflag:s13] =	ssyncset.done $0x0  }
0x120: {  	s31 =	rddreg [dreg:$0x5];
	[sflag:s13] =	ssyncadd.s32 $0xFFFF8000  }
0x121: {  	[hbm4b:s31+s2] =	stream.linear.scatter [tilespmem:s11], [sflag:$0x2], $0x8000, $0x38;
	[tilespmem:$0x10080] =	vst v63  }
0x122: {  	_ =	swait.ge [sflag:s14], $0x8000  }
0x123: {  	[sflag:s14] =	ssyncset.done $0x0  }
0x124: {  	[sflag:s14] =	ssyncadd.s32 $0xFFFF8000  }
0x125: {  	_ =	swait.ge [sflag:s13], $0x8000  }
0x126: {  	[sflag:s13] =	ssyncset.done $0x0  }
0x127: {  	[sflag:s13] =	ssyncadd.s32 $0xFFFF8000  }
0x128: {  	_ =	sfence.sel $0x180000  }
0x129: {  	[bflag:$0x0] =	sbarrier.arrive $0xFFFF  }
0x12a: {  	_ =	strace $0x90000047  }
0x12b: {  	[bflag:$0x2] =	sbarrier.arrive $0xFFFF  }
0x12c: {  	p0 =	sne.s32 s15, $0x0;
	s0 =	rddreg [dreg:$0x2]  }
0x12d: {  	s0 =	sadd.s32 @!p0 $0x100000, s0  }
0x12e: {  	[sflag:s0] =	ssyncadd.tile.s32 @!p0 $0x1;
	_ =	shalt  }
.LBB2_1:
.Ltmp3:
0x12f: {  	s30 =	simm.s32 $0xF080;
	s29 =	simm.s32 $0xE880;
	(pc) =	sbr.rel .LBB2_6-.Ltmp3, $4  }
0x130: {  	s28 =	simm.s32 $0xE080;
	s26 =	simm.s32 $0xA080;
	s25 =	simm.s32 $0x9880  }
0x131: {  	s24 =	simm.s32 $0x9080;
	s23 =	simm.s32 $0x8880;
	s22 =	simm.s32 $0xA880  }
0x132: {  	s21 =	simm.s32 $0xD880;
	s20 =	simm.s32 $0xD080;
	s19 =	simm.s32 $0xC880  }
0x133: {  	s18 =	simm.s32 $0xC080;
	s17 =	simm.s32 $0xB880;
	s16 =	simm.s32 $0xB080  }
.LBB2_3:
0x134: {  	s30 =	simm.s32 $0xF080  }
.Ltmp4:
0x135: {  	s29 =	simm.s32 $0xE880;
	s28 =	simm.s32 $0xE080;
	(pc) =	sbr.rel .LBB2_6-.Ltmp4, $4  }
0x136: {  	s26 =	simm.s32 $0xA080;
	s25 =	simm.s32 $0x9880;
	s24 =	simm.s32 $0x9080  }
0x137: {  	s23 =	simm.s32 $0x8880;
	s22 =	simm.s32 $0xA880;
	s21 =	simm.s32 $0xD880  }
0x138: {  	s20 =	simm.s32 $0xD080;
	s19 =	simm.s32 $0xC880;
	s18 =	simm.s32 $0xC080  }
0x139: {  	s17 =	simm.s32 $0xB880;
	s16 =	simm.s32 $0xB080;
	s15 =	stileid.u32  }
.Lfunc_end2:
_tile_overlayer_lowered:
.L_overlay_start_2:
0x13a: {  	(tag) =	ssettag $0x2  }
0x13b: {  	s0 =	rddreg [dreg:$0x0];
	s2 =	stileid.u32  }
0x13c: {  	s1 =	rddreg [dreg:$0x1];
	p0 =	sne.s32 s2, $0x0  }
0x13d: {  	s3 =	rddreg [dreg:$0x2];
	[bflag:$0x3] =	sbarrier.arrive $0xFFFF;
	s2 =	simm.s32 @!p0 $0x1C03  }
0x13e: {  	[timem:s3], [sflag:s2] =	dma.local @!p0 [hbm:s0], s1  }
0x13f: {  	s0 =	simm.s32 @!p0 $0x3  }
0x140: {  	_ =	swait.ge @!p0 [sflag:s0], s1  }
0x141: {  	s1 =	ssub.s32 @!p0 $0x0, s1;
	[sflag:s0] =	ssyncset.done @!p0 $0x0  }
0x142: {  	[sflag:s0] =	ssyncadd.s32 @!p0 s1  }
0x143: {  	[bflag:$0x3] =	sbarrier.arrive $0xFFFF  }
0x144: {  	_ =	shalt  }

// kernel: kernel.9.cloned.1.call-start
scs
__scs_entry_jumppad:
0x0: {  	(pc) =	sbr.rel $0x88, $3  }
0x1: {  	(tag) =	ssettag $0x0;
	lr =	simm.s32 $0x1  }
0x2: {  	[smem:$0x3F9D] =	sst lr;
	_ =	strace $0xD0000000  }
0x3: {  	_ = 	snop  }
0x4: {  	_ = 	snop  }
0x5: {  	_ = 	snop  }
0x6: {  	_ = 	snop  }
0x7: {  	_ = 	snop  }
__scs_overlays_trampoline_lowered:
0x8: {  	[smem:$0x3FAC] =	sst s0  }
0x9: {  	[smem:$0x3FAD] =	sst s1  }
0xa: {  	[smem:$0x3FAE] =	sst s2  }
0xb: {  	[smem:$0x3FAF] =	sst s3  }
0xc: {  	[smem:$0x3FB0] =	sst s4  }
0xd: {  	[smem:$0x3FB1] =	sst s5  }
0xe: {  	[smem:$0x3FB2] =	sst s6  }
0xf: {  	[smem:$0x3FB3] =	sst s7  }
0x10: {  	[smem:$0x3FB4] =	sst s8  }
0x11: {  	[smem:$0x3FB5] =	sst s9;
	s0 =	simm.s32 @!p0 $0x0  }
0x12: {  	s1 =	sld [smem:$0x3F9B];
	s0 =	simm.s32 @p0 $0x1  }
0x13: {  	[smem:$0x3FB6] =	sst s0;
	s0 =	simm.s32 @!p1 $0x0  }
0x14: {  	s2 =	sld [smem:$0x3F9A];
	s0 =	simm.s32 @p1 $0x1  }
0x15: {  	[smem:$0x3FB7] =	sst s0;
	s0 =	simm.s32 @!p2 $0x0  }
0x16: {  	s3 =	sld [smem:$0x3FDB];
	s0 =	simm.s32 @p2 $0x1  }
0x17: {  	s4 =	simm.s32 $0x1BF5;
	[smem:$0x3FB9] =	sst s0  }
0x18: {  	s0 =	sld [smem:$0x3F9C];
	_ =	swait.ge [sflag:s4], $0x0  }
0x19: {  	s7 =	sld [smem:$0x3F9D]  }
0x1a: {  	s8 =	sadd.s32 $0xFFFFE003, lr  }
0x1b: {  	s9 =	sadd.s32 $0xFFFFFEF7, lr;
	s5 =	simm.s32 $0xFFFFFFFF;
	p2 =	slt.u32 s8, $0xFFFFF086  }
0x1c: {  	p1 =	slt.u32 s9, $0xF7A;
	s5 =	simm.s32 @!p2 $0x0  }
0x1d: {  	s5 =	simm.s32 @p1 $0x1;
	p0 =	seq.s32 s7, s2  }
0x1e: {  	s7 =	smul.u32 @!p0 $0xF7A, s2;
	p2 =	seq.s32 @!p0 s5, $0x0  }
0x1f: {  	s9 =	smul.u32 $0xF7A, s1;
	s8 =	simm.s32 @!p0 $0x1BF5;
	p2 =	por !p2, p0  }
0x20: {  	[sflag:s8] =	ssyncset.s32 @!p0 $0xFFFFF086;
	s6 =	sadd.s32 @!p0 s3, s7;
	s7 =	simm.s32 @!p0 $0x108  }
0x21: {  	s3 =	sadd.s32 s3, s9;
	s6 =	sadd.s32 @!p0 $0x88, s6;
	s7 =	simm.s32 @p2 $0x1082  }
0x22: {  	[simem:s7], [sflag:s8] =	dma.local @!p0 [hbm:s6], $0xF7A  }
0x23: {  	s9 =	sor.u32 $0xD0000000, s2;
	s6 =	simm.s32 $0x108;
	_ =	swait.ge @!p0 [sflag:s8], $0x0  }
0x24: {  	s3 =	sadd.s32 $0x88, s3;
	s6 =	simm.s32 @!p1 $0x1082;
	[sflag:s4] =	ssyncset.s32 $0xFFFFF086  }
0x25: {  	[simem:s6], [sflag:s4] =	dma.local [hbm:s3], $0xF7A  }
0x26: {  	[smem:$0x3F9D] =	sst s1;
	(tag) =	ssettag s2;
	_ =	strace s9  }
0x27: {  	s1 =	sld [smem:$0x3FAD]  }
0x28: {  	s2 =	sld [smem:$0x3FAE]  }
0x29: {  	s4 =	sld [smem:$0x3FB0]  }
0x2a: {  	p0 =	seq.s32 s5, $0x0;
	s5 =	sld [smem:$0x3FB1]  }
0x2b: {  	s6 =	sld [smem:$0x3FB2]  }
0x2c: {  	s7 =	sld [smem:$0x3FB3]  }
0x2d: {  	s3 =	simm.s32 $0x108;
	s8 =	sld [smem:$0x3FB4]  }
0x2e: {  	s3 =	simm.s32 @!p0 $0x1082;
	s9 =	sld [smem:$0x3FB5]  }
0x2f: {  	lr =	sadd.s32 s0, s3;
	s0 =	sld [smem:$0x3FAC]  }
0x30: {  	s3 =	sld [smem:$0x3FAF]  }
0x31: {  	[smem:$0x3FB8] =	sst s10  }
0x32: {  	s10 =	sld [smem:$0x3FB6];
	_ =	sdelay $0x3  }
0x33: {  	p0 =	seq.s32 s10, $0x1;
	s10 =	sld [smem:$0x3FB8];
	_ =	sdelay $0x3  }
0x34: {  	[smem:$0x3FB8] =	sst s10  }
0x35: {  	s10 =	sld [smem:$0x3FB7];
	_ =	sdelay $0x3  }
0x36: {  	p1 =	seq.s32 s10, $0x1;
	s10 =	sld [smem:$0x3FB8];
	_ =	sdelay $0x3  }
0x37: {  	[smem:$0x3FB8] =	sst s10  }
0x38: {  	s10 =	sld [smem:$0x3FB9]  }
0x39: {  	_ = 	snop;
	(pc) =	sbr.ind lr, $3  }
0x3a: {  	_ = 	snop  }
0x3b: {  	_ = 	snop  }
0x3c: {  	p2 =	seq.s32 s10, $0x1;
	s10 =	sld [smem:$0x3FB8]  }
0x3d: {  	_ =	shalt  }
0x3e: {  	_ =	shalt  }
0x3f: {  	_ =	shalt  }
0x40: {  	_ =	shalt  }
0x41: {  	_ =	shalt  }
0x42: {  	_ =	shalt  }
0x43: {  	_ =	shalt  }
0x44: {  	_ =	shalt  }
0x45: {  	_ =	shalt  }
0x46: {  	_ =	shalt  }
0x47: {  	_ =	shalt  }
0x48: {  	_ =	shalt  }
0x49: {  	_ =	shalt  }
0x4a: {  	_ =	shalt  }
0x4b: {  	_ =	shalt  }
0x4c: {  	_ =	shalt  }
0x4d: {  	_ =	shalt  }
0x4e: {  	_ =	shalt  }
0x4f: {  	_ =	shalt  }
0x50: {  	_ =	shalt  }
0x51: {  	_ =	shalt  }
0x52: {  	_ =	shalt  }
0x53: {  	_ =	shalt  }
0x54: {  	_ =	shalt  }
0x55: {  	_ =	shalt  }
0x56: {  	_ =	shalt  }
0x57: {  	_ =	shalt  }
0x58: {  	_ =	shalt  }
0x59: {  	_ =	shalt  }
0x5a: {  	_ =	shalt  }
0x5b: {  	_ =	shalt  }
0x5c: {  	_ =	shalt  }
0x5d: {  	_ =	shalt  }
0x5e: {  	_ =	shalt  }
0x5f: {  	_ =	shalt  }
0x60: {  	_ =	shalt  }
0x61: {  	_ =	shalt  }
0x62: {  	_ =	shalt  }
0x63: {  	_ =	shalt  }
0x64: {  	_ =	shalt  }
0x65: {  	_ =	shalt  }
0x66: {  	_ =	shalt  }
0x67: {  	_ =	shalt  }
0x68: {  	_ =	shalt  }
0x69: {  	_ =	shalt  }
0x6a: {  	_ =	shalt  }
0x6b: {  	_ =	shalt  }
0x6c: {  	_ =	shalt  }
0x6d: {  	_ =	shalt  }
0x6e: {  	_ =	shalt  }
0x6f: {  	_ =	shalt  }
0x70: {  	_ =	shalt  }
0x71: {  	_ =	shalt  }
0x72: {  	_ =	shalt  }
0x73: {  	_ =	shalt  }
0x74: {  	_ =	shalt  }
0x75: {  	_ =	shalt  }
0x76: {  	_ =	shalt  }
0x77: {  	_ =	shalt  }
0x78: {  	_ =	shalt  }
0x79: {  	_ =	shalt  }
0x7a: {  	_ =	shalt  }
0x7b: {  	_ =	shalt  }
0x7c: {  	_ =	shalt  }
0x7d: {  	_ =	shalt  }
0x7e: {  	_ =	shalt  }
0x7f: {  	_ =	shalt  }
0x80: {  	_ =	shalt  }
0x81: {  	_ =	shalt  }
0x82: {  	_ =	shalt  }
0x83: {  	_ =	shalt  }
0x84: {  	_ =	shalt  }
0x85: {  	_ =	shalt  }
0x86: {  	_ =	shalt  }
0x87: {  	_ =	shalt  }
.Lfunc_end0:
.L_simem_size_0:
called_computation.1_lowered:
.L_overlay_start_0:
0x88: {  	s2 =	sld [smem:$0x3FD9]  }
0x89: {  	s3 =	sld [smem:$0x3FFE];
	_ =	sdelay $0x1  }
0x8a: {  	s1 =	srdreg.scid  }
0x8b: {  	s0 =	sand.u32 $0x1, s1  }
0x8c: {  	s17 =	sshll.u32 s0, $0xA;
	s2 =	sadd.s32 s3, s2  }
0x8d: {  	s2 =	sadd.s32 s2, s17  }
0x8e: {  	[smem:$0x3FC4] =	sst s2  }
0x8f: {  	_ = 	snop  }
0x90: {  	s2 =	sld [smem:$0x3FD0];
	(tm) =	ssettm $0x1  }
0x91: {  	s18 =	sld [smem:$0x3FFB];
	_ =	sdelay $0x3  }
0x92: {  	_ =	strace s18  }
0x93: {  	s3 =	sld [smem:$0x3FFC];
	_ =	sdelay $0x3  }
0x94: {  	_ =	strace s3  }
0x95: {  	s3 =	sld [smem:$0x3FFD];
	_ =	sdelay $0x3  }
0x96: {  	_ =	strace s3  }
0x97: {  	_ =	strace $0x8FFFFFFF  }
0x98: {  	s19 =	sld [smem:$0x3FDB];
	_ =	sdelay $0x1  }
0x99: {  	s4 =	simm.s32 $_scs_section_size  }
0x9a: {  	s5 =	simm.s32 $_size__tile_overlayer_lowered;
	s6 =	simm.s32 $_tile_overlayer_lowered  }
0x9b: {  	s22 =	simm.s32 $0x1BFF;
	s21 =	sshll.u32 s6, $0x1;
	s3 =	sadd.s32 s4, s19  }
0x9c: {  	s7 =	simm.s32 $0x0;
	s20 =	sshll.u32 s5, $0x1;
	s5 =	sadd.s32 s21, s3  }
0x9d: {  	[timem:s7], [sflag:s22] =	dma.local [hbm:s5], s20  }
0x9e: {  	_ =	swait.ge [sflag:s22], s20  }
0x9f: {  	s4 =	ssub.s32 $0x0, s20;
	[sflag:s22] =	ssyncset.done $0x0  }
0xa0: {  	[sflag:s22] =	ssyncadd.s32 s4;
	_ =	sdelay $0x1  }
0xa1: {  	s23 =	simm.s32 $0x1B8B  }
0xa2: {  	_ =	swait.ge [sflag:s23], $0x1  }
0xa3: {  	[sflag:s23] =	ssyncset.done $0x0  }
0xa4: {  	s25 =	simm.s32 $0x1B8E;
	s24 =	sld [smem:$0x3FFE];
	[sflag:s23] =	ssyncadd.s32 $0xFFFFFFFF  }
0xa5: {  	s26 =	simm.s32 $execute0_lowered;
	[smem:$0x3FD2] =	sst s25  }
0xa6: {  	s5 =	sshll.u32 s26, $0x1;
	_ =	strace $0x80000049;
	[dreg:$0x1] =	wrdreg $0xFFFFFFFF  }
0xa7: {  	s28 =	simm.s32 $_size_execute0_lowered;
	s3 =	sadd.s32 s3, s5;
	[dreg:$0x0] =	wrdreg $0x0  }
0xa8: {  	s5 =	sshll.u32 s28, $0x1;
	[dreg:$0x2] =	wrdreg s3  }
0xa9: {  	[dreg:$0x3] =	wrdreg s5  }
0xaa: {  	[dreg:$0x4] =	wrdreg $0xC0  }
0xab: {  	_ =	task [dreg:s7], $0x5FFFF  }
0xac: {  	[dreg:$0x1] =	wrdreg $0xFFFFFFFF  }
0xad: {  	[dreg:$0x0] =	wrdreg $0x60  }
0xae: {  	[dreg:$0x2] =	wrdreg s24  }
0xaf: {  	[dreg:$0x3] =	wrdreg s2  }
0xb0: {  	[dreg:$0x4] =	wrdreg $0x9  }
0xb1: {  	_ =	task.clear_ibuf [dreg:s7], $0x5FFFF;
	_ =	strace $0x90000049  }
0xb2: {  	s29 =	simm.s32 $0x9;
	_ =	strace $0x8000004B  }
0xb3: {  	_ =	swait.ge [sflag:s29], $0x1  }
0xb4: {  	[sflag:s29] =	ssyncadd.s32 $0xFFFFFFFF  }
0xb5: {  	_ =	strace $0x9000004B  }
0xb6: {  	_ =	sfence  }
0xb7: {  	s30 =	sld [smem:$0x0];
	_ =	sdelay $0x2  }
0xb8: {  	s31 =	sshll.u32 s1, $0xD;
	s1 =	sshrl.u32 s1, $0x2  }
0xb9: {  	s3 =	sand.u32 $0x4000, s31;
	s1 =	sadd.s32 s1, s30  }
0xba: {  	s0 =	sor.u32 s3, s0;
	s1 =	sshll.u32 s1, $0x11  }
0xbb: {  	s0 =	sor.u32 s1, s0  }
0xbc: {  	s0 =	sadd.s32 $0x8F2B, s0  }
0xbd: {  	[sflag:s0] =	ssyncadd.remote.s32 $0x1  }
0xbe: {  	_ =	sfence.sel $0xFFFF  }
0xbf: {  	[dreg:$0x0] =	wrdreg $0xFFFFFFFF;
	(pc) =	sbr.abs _section_cstart, $3  }
0xc0: {  	[dreg:$0x1] =	wrdreg $0xFFFFFFFF  }
0xc1: {  	_ =	task.clear_ibuf [dreg:s7], $0x2FFFF;
	_ =	strace $0x9FFFFFFF  }
0xc2: {  	(tm) =	ssettm $0x7FFFFFFF  }
0xc3: {  	_ =	shalt  }
tec
execute0_lowered:
.L_overlay_start_1:
0x0: {  	(tag) =	ssettag $0x1  }
0x1: {  	s6 =	rddreg [dreg:$0x0]  }
0x2: {  	s2 =	rddreg [dreg:$0x1]  }
0x3: {  	s3 =	srdreg.scid;
	s0 =	rddreg [dreg:$0x2]  }
0x4: {  	s1 =	stileid.u32;
	s13 =	sand.u32 $0x1, s3;
	s3 =	simm.s32 $0x0  }
0x5: {  	s5 =	sshll.u32 s1, $0x5;
	s4 =	sshll.u32 s13, $0x9;
	[smem:$0x7FF] =	sst s3  }
0x6: {  	s5 =	sor.u32 s5, s4;
	_ =	strace $0x8000004A;
	s4 =	sadd.s32 $0x4200, s6  }
0x7: {  	s7 =	sshll.u32 s5, $0x4;
	s8 =	sshrl.u32 s5, $0x3;
	s5 =	simm.s32 $0x1080  }
0x8: {  	[tilespmem:s5], [sflag:$0x1] =	stream.linear.gather [hbm4b:s4+s3], $0x8000, $0x38;
	[tilespmem:$0x9080] =	vst v63  }
0x9: {  	s7 =	sadd.s32 s7, s6;
	s6 =	sadd.s32 s6, s8  }
0xa: {  	[tilespmem:s3], [sflag:$0x2] =	stream.linear.gather [hbm4b:s6+s3], $0x20, $0x38;
	[tilespmem:$0x9080] =	vst v63  }
0xb: {  	s9 =	simm.s32 $0x80;
	s8 =	simm.s32 $0x1;
	s7 =	sadd.s32 $0x200, s7  }
0xc: {  	[tilespmem:s9], [sflag:$0x3] =	stream.linear.gather [hbm4b:s7+s3], $0x1000, $0x38;
	[tilespmem:$0x9080] =	vst v63  }
0xd: {  	s10 =	sshll.u32 s1, $0xC;
	_ =	swait.ge [sflag:s8], $0x8000  }
0xe: {  	s11 =	sshll.u32 s13, $0x10;
	s10 =	sadd.s32 s2, s10;
	[sflag:s8] =	ssyncset.done $0x0  }
0xf: {  	s10 =	sadd.s32 s11, s10;
	s11 =	simm.s32 $0x4;
	[sflag:s8] =	ssyncadd.s32 $0xFFFF8000  }
0x10: {  	[hbm4b:s10+s3] =	stream.linear.scatter [tilespmem:s5], [sflag:$0x4], $0x8000, $0x38;
	[tilespmem:$0x9080] =	vst v63  }
0x11: {  	_ =	swait.ge [sflag:s11], $0x8000  }
0x12: {  	[sflag:s11] =	ssyncset.done $0x0  }
0x13: {  	[sflag:s11] =	ssyncadd.s32 $0xFFFF8000  }
0x14: {  	s12 =	simm.s32 $0x2;
	s14 =	ssub.s32 $0x2, s13;
	[bflag:$0x0] =	sbarrier.arrive $0xFFFF  }
0x15: {  	s15 =	sshrl.u32 s14, $0x1;
	_ =	swait.ge [sflag:s12], $0x20  }
0x16: {  	s14 =	ssub.s32 s14, s15;
	[sflag:s12] =	ssyncset.done $0x0  }
0x17: {  	s13 =	simm.s32 $0x3;
	s15 =	smax.u32 s14, $0x1;
	[sflag:s12] =	ssyncadd.s32 $0xFFFFFFE0  }
0x18: {  	p0 =	sne.s32 s15, $0x1;
	_ =	swait.ge [sflag:s13], $0x1000  }
.Ltmp0:
0x19: {  	[sflag:s13] =	ssyncset.done $0x0;
	(pc) =	sbr.rel @!p0 .LBB2_2-.Ltmp0, $4  }
0x1a: {  	s14 =	simm.s32 $0x20;
	[sflag:s13] =	ssyncadd.s32 $0xFFFFF000  }
0x1b: {  	[hbm4b:s2+s14] =	stream.indirect.scatter [tilespmem:s9], [sflag:$0x1], $0x80, s3, s14, $0xb8;
	[tilespmem:$0x9080] =	vst v63  }
0x1c: {  	_ =	swait.ge [sflag:s8], $0x1000  }
0x1d: {  	s15 =	sadd.s32 $0xFFFFFFFF, s15;
	[sflag:s8] =	ssyncset.done $0x0  }
.LBB2_1:
0x1e: {  	p0 =	sne.s32 s15, $0x1;
	s15 =	sadd.s32 $0xFFFFFFFF, s15;
	[sflag:s8] =	ssyncadd.s32 $0xFFFFF000  }
0x1f: {  	[tilespmem:s5], [sflag:$0x1] =	stream.linear.gather [hbm4b:s4+s3], $0x8000, $0x38;
	[tilespmem:$0x9080] =	vst v63  }
0x20: {  	_ = 	snop  }
0x21: {  	[tilespmem:s3], [sflag:$0x2] =	stream.linear.gather [hbm4b:s6+s3], $0x20, $0x38;
	[tilespmem:$0x9080] =	vst v63  }
0x22: {  	_ = 	snop  }
0x23: {  	[tilespmem:s9], [sflag:$0x3] =	stream.linear.gather [hbm4b:s7+s3], $0x1000, $0x38;
	[tilespmem:$0x9080] =	vst v63  }
0x24: {  	_ =	swait.ge [sflag:s8], $0x8000  }
0x25: {  	[sflag:s8] =	ssyncset.done $0x0  }
0x26: {  	[sflag:s8] =	ssyncadd.s32 $0xFFFF8000  }
0x27: {  	[hbm4b:s10+s3] =	stream.linear.scatter [tilespmem:s5], [sflag:$0x4], $0x8000, $0x38;
	[tilespmem:$0x9080] =	vst v63  }
0x28: {  	_ =	swait.ge [sflag:s11], $0x8000  }
0x29: {  	[sflag:s11] =	ssyncset.done $0x0  }
0x2a: {  	[sflag:s11] =	ssyncadd.s32 $0xFFFF8000  }
0x2b: {  	[bflag:$0x0] =	sbarrier.arrive $0xFFFF  }
0x2c: {  	_ =	swait.ge [sflag:s12], $0x20  }
0x2d: {  	[sflag:s12] =	ssyncset.done $0x0  }
0x2e: {  	[sflag:s12] =	ssyncadd.s32 $0xFFFFFFE0  }
0x2f: {  	_ =	swait.ge [sflag:s13], $0x1000  }
.Ltmp1:
0x30: {  	[sflag:s13] =	ssyncset.done $0x0;
	(pc) =	sbr.rel @p0 .LBB2_1-.Ltmp1, $4  }
0x31: {  	[sflag:s13] =	ssyncadd.s32 $0xFFFFF000  }
0x32: {  	[hbm4b:s2+s14] =	stream.indirect.scatter [tilespmem:s9], [sflag:$0x1], $0x80, s3, s14, $0xb8;
	[tilespmem:$0x9080] =	vst v63  }
0x33: {  	_ =	swait.ge [sflag:s8], $0x1000  }
0x34: {  	[sflag:s8] =	ssyncset.done $0x0  }
.LBB2_2:
0x35: {  	[sflag:s8] =	ssyncadd.s32 $0xFFFFF000  }
0x36: {  	_ =	sfence.sel $0x180000  }
0x37: {  	[bflag:$0x0] =	sbarrier.arrive $0xFFFF  }
0x38: {  	p0 =	sne.s32 s1, $0x0;
	_ =	strace $0x9000004A  }
0x39: {  	s0 =	sadd.s32 @!p0 $0x100000, s0;
	[bflag:$0x2] =	sbarrier.arrive $0xFFFF  }
0x3a: {  	[sflag:s0] =	ssyncadd.tile.s32 @!p0 $0x1;
	_ =	shalt  }
.Lfunc_end2:
_tile_overlayer_lowered:
.L_overlay_start_2:
0x3b: {  	(tag) =	ssettag $0x2  }
0x3c: {  	s0 =	rddreg [dreg:$0x0];
	s2 =	stileid.u32  }
0x3d: {  	s1 =	rddreg [dreg:$0x1];
	p0 =	sne.s32 s2, $0x0  }
0x3e: {  	s3 =	rddreg [dreg:$0x2];
	[bflag:$0x3] =	sbarrier.arrive $0xFFFF;
	s2 =	simm.s32 @!p0 $0x1C04  }
0x3f: {  	[timem:s3], [sflag:s2] =	dma.local @!p0 [hbm:s0], s1  }
0x40: {  	s0 =	simm.s32 @!p0 $0x4  }
0x41: {  	_ =	swait.ge @!p0 [sflag:s0], s1  }
0x42: {  	s1 =	ssub.s32 @!p0 $0x0, s1;
	[sflag:s0] =	ssyncset.done @!p0 $0x0  }
0x43: {  	[sflag:s0] =	ssyncadd.s32 @!p0 s1  }
0x44: {  	[bflag:$0x3] =	sbarrier.arrive $0xFFFF  }
0x45: {  	_ =	shalt  }

</sc_bundles>
